<compile_context>
chip_gen: v7x
topology: tpu7x:2x2x1
jax: 0.10.2.dev20260603
libtpu: 0.0.44.dev20260713+nightly
codegen_flags: <defaults>
</compile_context>

<pallas_src>
import functools

import jax
import jax.numpy as jnp
from jax import lax
from jax.experimental import pallas as pl
from jax.experimental.pallas import tpu as pltpu
from jax.experimental.pallas import tpu_sc as plsc

NUM_EMB = 1002
EMBED = 128
B, L = 4096, 200
N = B * L
NC, NS = 2, 16
NW = NC * NS
PER_W = N // NW
GATHER = 128
NI = PER_W // GATHER
CHUNK = GATHER
NJ = PER_W // CHUNK
NBUF = 4
AHEAD = NBUF // 2
assert (NJ - 2 * AHEAD) % NBUF == 0 and NBUF == 2 * AHEAD


def _emb_body(idx_hbm, w_hbm, out_hbm, w_sh, idx_v, rows_v, gsem, osem):
    cid = lax.axis_index("c")
    sid = lax.axis_index("s")
    wid = sid * NC + cid
    base = wid * PER_W

    @pl.when(sid == 0)
    def _():
        pltpu.sync_copy(w_hbm, w_sh)

    pltpu.sync_copy(idx_hbm.at[wid], idx_v)
    plsc.subcore_barrier()

    def gather(j, buf):
        pltpu.async_copy(w_sh.at[idx_v.at[j]], rows_v.at[buf], gsem)

    def put(j, buf):
        pltpu.async_copy(
            rows_v.at[buf], out_hbm.at[pl.ds(base + j * CHUNK, CHUNK)], osem
        )

    def wait_gather(buf):
        pltpu.make_async_copy(w_sh.at[idx_v.at[0]], rows_v.at[buf], gsem).wait()

    def wait_put(j, buf):
        pltpu.make_async_copy(
            rows_v.at[buf], out_hbm.at[pl.ds(base + j * CHUNK, CHUNK)], osem
        ).wait()

    for j in range(AHEAD):
        gather(j, j % NBUF)
    for j in range(AHEAD):
        gather(j + AHEAD, (j + AHEAD) % NBUF)
        wait_gather(j % NBUF)
        put(j, j % NBUF)

    @pl.loop(AHEAD, NJ - AHEAD, step=NBUF)
    def _steady(j0):
        for b in range(NBUF):
            j = j0 + b
            buf = (AHEAD + b) % NBUF
            nbuf = (buf + AHEAD) % NBUF
            wait_put(j - AHEAD, nbuf)
            gather(j + AHEAD, nbuf)
            wait_gather(buf)
            put(j, buf)

    for j in range(NJ - AHEAD, NJ):
        wait_put(j - AHEAD, (j - AHEAD) % NBUF)
        wait_gather(j % NBUF)
        put(j, j % NBUF)
    for j in range(NJ - AHEAD, NJ):
        wait_put(j, j % NBUF)


@functools.partial(jax.jit, static_argnames=())
def kernel(indices, W):
    idx = indices.reshape(NW, NI, GATHER)
    mesh = plsc.VectorSubcoreMesh(
        core_axis_name="c", subcore_axis_name="s", num_cores=NC, num_subcores=NS
    )
    run = pl.kernel(
        _emb_body,
        out_type=jax.ShapeDtypeStruct((N, EMBED), jnp.float32),
        mesh=mesh,
        scratch_types=[
            pltpu.VMEM_SHARED((NUM_EMB, EMBED), jnp.float32),
            pltpu.VMEM((NI, GATHER), jnp.int32),
            pltpu.VMEM((NBUF, CHUNK, EMBED), jnp.float32),
            pltpu.SemaphoreType.DMA,
            pltpu.SemaphoreType.DMA,
        ],
    )
    out = run(idx, W)
    return out.reshape(B, L, EMBED)

# --- scband reference (transcript-rebuilt; emitter-appended) ---
"""Pipeline reference for scband-base-46548855554613 (READ-ONLY COPY).

The authoritative reference and input builder live on the scoring server;
editing this copy changes nothing except your own understanding.
"""

import jax, jax.numpy as jnp
import numpy as np

VOCAB = 1000
NUM_EMB = VOCAB + 2
EMBED = 128
B, L = 4096, 200

def setup_inputs(seed: int = 0):
    key = jax.random.key(seed)
    k1, k2 = jax.random.split(key)
    W = jax.random.normal(k1, (NUM_EMB, EMBED), dtype=jnp.float32) * 0.1
    W = W.at[0].set(0.0)  # padding_idx=0 row is zero
    indices = jax.random.randint(k2, (B, L), 0, NUM_EMB, dtype=jnp.int32)
    return {"indices": indices, "W": W}

def reference(indices, W):
    # Base.forward (implied usage): x = self.embed(indices); x = self.embed_drop(x)
    # Dropout is identity in eval mode. padding_idx=0 row forced to zero.
    Wm = W.at[0].set(0.0)
    out = jnp.take(Wm, indices, axis=0)
    return out

if __name__ == "__main__":
    import jax
    _d = setup_inputs()
    print(jax.jit(kernel)(*tuple(_d.values())))

</pallas_src>

<mosaic_0001>
#map = affine_map<(d0, d1) -> (0, 0, 0)>
#map1 = affine_map<(d0, d1) -> (0, 0)>
module attributes {stable_mosaic.version = 14 : i64} {
  func.func @_emb_body(%arg0: i32, %arg1: i32, %arg2: memref<32x200x128xi32, #tpu.memory_space<hbm>>, %arg3: memref<1002x128xf32, #tpu.memory_space<hbm>>, %arg4: memref<819200x128xf32, #tpu.memory_space<hbm>>, %arg5: memref<1002x128xf32, #tpu.memory_space<vmem_shared>>, %arg6: memref<200x128xi32, #tpu.memory_space<vmem>>, %arg7: memref<4x128x128xf32, #tpu.memory_space<vmem>>, %arg8: memref<!tpu.dma_semaphore, #tpu.memory_space<semaphore_mem>>, %arg9: memref<!tpu.dma_semaphore, #tpu.memory_space<semaphore_mem>>) attributes {dimension_semantics = [#tpu.dimension_semantics<core_parallel>, #tpu.dimension_semantics<subcore_parallel>], iteration_bounds = array<i64: 2, 16>, scalar_prefetch = 0 : i64, scratch_operands = 5 : i64, tpu.core_type = #tpu.core_type<sc_vector_subcore>, window_params = [{transform_indices = #map}, {transform_indices = #map1}, {transform_indices = #map1}]} {
    %mul3A = arith.constant 2 : i32
    %mul3A_0 = arith.muli %arg1, %mul3A : i32
    %add3A = arith.addi %mul3A_0, %arg0 : i32
    %mul3A_1 = arith.constant 25600 : i32
    %mul3A_2 = arith.muli %add3A, %mul3A_1 : i32
    %eq3A = arith.constant 0 : i32
    %eq3A_3 = arith.cmpi eq, %arg1, %eq3A : i32
    %convert_element_type3A = arith.extui %eq3A_3 : i1 to i32
    %cond3A = arith.constant 0 : i32
    %cond3A_4 = arith.cmpi ne, %convert_element_type3A, %cond3A : i32
    scf.if %cond3A_4 {
      "tpu.region"() ({
        %run_scoped3A = tpu.sem_alloc : memref<!tpu.dma_semaphore, #tpu.memory_space<semaphore_mem>>
        tpu.enqueue_dma source(%arg3 : memref<1002x128xf32, #tpu.memory_space<hbm>>) target(%arg5 : memref<1002x128xf32, #tpu.memory_space<vmem_shared>>) target_semaphore(%run_scoped3A : memref<!tpu.dma_semaphore, #tpu.memory_space<semaphore_mem>>)
        tpu.wait_dma2 semaphore(%run_scoped3A : memref<!tpu.dma_semaphore, #tpu.memory_space<semaphore_mem>>) src(%arg3 : memref<1002x128xf32, #tpu.memory_space<hbm>>) dst(%arg5 : memref<1002x128xf32, #tpu.memory_space<vmem_shared>>)
        tpu.yield
      }) : () -> ()
    } else {
    }
    "tpu.region"() ({
      %run_scoped3A = tpu.sem_alloc : memref<!tpu.dma_semaphore, #tpu.memory_space<semaphore_mem>>
      %dma_start3A_223 = arith.constant 0 : i32
      %dma_start3A_224 = arith.constant 0 : i32
      %dma_start3A_225 = tpu.memref_slice %arg2[%add3A, %dma_start3A_223, %dma_start3A_224] : memref<32x200x128xi32, #tpu.memory_space<hbm>> -> memref<1x200x128xi32, #tpu.memory_space<hbm>>
      %dma_start3A_226 = tpu.memref_squeeze %dma_start3A_225 : memref<1x200x128xi32, #tpu.memory_space<hbm>> -> memref<200x128xi32, #tpu.memory_space<hbm>>
      %dma_start3A_227 = arith.constant 0 : i32
      %dma_start3A_228 = arith.constant 0 : i32
      %dma_start3A_229 = tpu.memref_slice %arg2[%add3A, %dma_start3A_227, %dma_start3A_228] : memref<32x200x128xi32, #tpu.memory_space<hbm>> -> memref<1x200x128xi32, #tpu.memory_space<hbm>>
      %dma_start3A_230 = tpu.memref_squeeze %dma_start3A_229 : memref<1x200x128xi32, #tpu.memory_space<hbm>> -> memref<200x128xi32, #tpu.memory_space<hbm>>
      tpu.enqueue_dma source(%dma_start3A_230 : memref<200x128xi32, #tpu.memory_space<hbm>>) target(%arg6 : memref<200x128xi32, #tpu.memory_space<vmem>>) target_semaphore(%run_scoped3A : memref<!tpu.dma_semaphore, #tpu.memory_space<semaphore_mem>>)
      %dma_wait3A_231 = arith.constant 0 : i32
      %dma_wait3A_232 = arith.constant 0 : i32
      %dma_wait3A_233 = tpu.memref_slice %arg2[%add3A, %dma_wait3A_231, %dma_wait3A_232] : memref<32x200x128xi32, #tpu.memory_space<hbm>> -> memref<1x200x128xi32, #tpu.memory_space<hbm>>
      %dma_wait3A_234 = tpu.memref_squeeze %dma_wait3A_233 : memref<1x200x128xi32, #tpu.memory_space<hbm>> -> memref<200x128xi32, #tpu.memory_space<hbm>>
      %dma_wait3A_235 = arith.constant 0 : i32
      %dma_wait3A_236 = arith.constant 0 : i32
      %dma_wait3A_237 = tpu.memref_slice %arg2[%add3A, %dma_wait3A_235, %dma_wait3A_236] : memref<32x200x128xi32, #tpu.memory_space<hbm>> -> memref<1x200x128xi32, #tpu.memory_space<hbm>>
      %dma_wait3A_238 = tpu.memref_squeeze %dma_wait3A_237 : memref<1x200x128xi32, #tpu.memory_space<hbm>> -> memref<200x128xi32, #tpu.memory_space<hbm>>
      tpu.wait_dma2 semaphore(%run_scoped3A : memref<!tpu.dma_semaphore, #tpu.memory_space<semaphore_mem>>) src(%dma_wait3A_238 : memref<200x128xi32, #tpu.memory_space<hbm>>) dst(%arg6 : memref<200x128xi32, #tpu.memory_space<vmem>>)
      tpu.yield
    }) : () -> ()
    %barrier3A = arith.constant 0 : index
    tpu.barrier barrier_id(%barrier3A)
    %dma_start3A = arith.constant 0 : i32
    %dma_start3A_5 = arith.constant 0 : i32
    %dma_start3A_6 = arith.constant 0 : i32
    %dma_start3A_7 = arith.constant 0 : i32
    %dma_start3A_8 = tpu.memref_slice %arg7[%dma_start3A_5, %dma_start3A_6, %dma_start3A_7] : memref<4x128x128xf32, #tpu.memory_space<vmem>> -> memref<1x128x128xf32, #tpu.memory_space<vmem>>
    %dma_start3A_9 = tpu.memref_squeeze %dma_start3A_8 : memref<1x128x128xf32, #tpu.memory_space<vmem>> -> memref<128x128xf32, #tpu.memory_space<vmem>>
    %dma_start3A_10 = arith.constant 0 : i32
    %dma_start3A_11 = tpu.memref_slice %arg6[%dma_start3A, %dma_start3A_10] : memref<200x128xi32, #tpu.memory_space<vmem>> -> memref<1x128xi32, #tpu.memory_space<vmem>>
    %dma_start3A_12 = tpu.memref_squeeze %dma_start3A_11 : memref<1x128xi32, #tpu.memory_space<vmem>> -> memref<128xi32, #tpu.memory_space<vmem>>
    %dma_start3A_13 = arith.constant 0 : i32
    %dma_start3A_14 = arith.constant 0 : i32
    %dma_start3A_15 = tpu.memref_slice %arg5[%dma_start3A_13, %dma_start3A_14] : memref<1002x128xf32, #tpu.memory_space<vmem_shared>> -> memref<1002x128xf32, #tpu.memory_space<vmem_shared>>
    tpu.enqueue_indirect_dma source(%dma_start3A_15 : memref<1002x128xf32, #tpu.memory_space<vmem_shared>>) target(%dma_start3A_9 : memref<128x128xf32, #tpu.memory_space<vmem>>) offsets(%dma_start3A_12 : memref<128xi32, #tpu.memory_space<vmem>>) semaphore(%arg8 : memref<!tpu.dma_semaphore, #tpu.memory_space<semaphore_mem>>)
    %dma_start3A_16 = arith.constant 1 : i32
    %dma_start3A_17 = arith.constant 1 : i32
    %dma_start3A_18 = arith.constant 0 : i32
    %dma_start3A_19 = arith.constant 0 : i32
    %dma_start3A_20 = tpu.memref_slice %arg7[%dma_start3A_17, %dma_start3A_18, %dma_start3A_19] : memref<4x128x128xf32, #tpu.memory_space<vmem>> -> memref<1x128x128xf32, #tpu.memory_space<vmem>>
    %dma_start3A_21 = tpu.memref_squeeze %dma_start3A_20 : memref<1x128x128xf32, #tpu.memory_space<vmem>> -> memref<128x128xf32, #tpu.memory_space<vmem>>
    %dma_start3A_22 = arith.constant 0 : i32
    %dma_start3A_23 = tpu.memref_slice %arg6[%dma_start3A_16, %dma_start3A_22] : memref<200x128xi32, #tpu.memory_space<vmem>> -> memref<1x128xi32, #tpu.memory_space<vmem>>
    %dma_start3A_24 = tpu.memref_squeeze %dma_start3A_23 : memref<1x128xi32, #tpu.memory_space<vmem>> -> memref<128xi32, #tpu.memory_space<vmem>>
    %dma_start3A_25 = arith.constant 0 : i32
    %dma_start3A_26 = arith.constant 0 : i32
    %dma_start3A_27 = tpu.memref_slice %arg5[%dma_start3A_25, %dma_start3A_26] : memref<1002x128xf32, #tpu.memory_space<vmem_shared>> -> memref<1002x128xf32, #tpu.memory_space<vmem_shared>>
    tpu.enqueue_indirect_dma source(%dma_start3A_27 : memref<1002x128xf32, #tpu.memory_space<vmem_shared>>) target(%dma_start3A_21 : memref<128x128xf32, #tpu.memory_space<vmem>>) offsets(%dma_start3A_24 : memref<128xi32, #tpu.memory_space<vmem>>) semaphore(%arg8 : memref<!tpu.dma_semaphore, #tpu.memory_space<semaphore_mem>>)
    %dma_start3A_28 = arith.constant 2 : i32
    %dma_start3A_29 = arith.constant 2 : i32
    %dma_start3A_30 = arith.constant 0 : i32
    %dma_start3A_31 = arith.constant 0 : i32
    %dma_start3A_32 = tpu.memref_slice %arg7[%dma_start3A_29, %dma_start3A_30, %dma_start3A_31] : memref<4x128x128xf32, #tpu.memory_space<vmem>> -> memref<1x128x128xf32, #tpu.memory_space<vmem>>
    %dma_start3A_33 = tpu.memref_squeeze %dma_start3A_32 : memref<1x128x128xf32, #tpu.memory_space<vmem>> -> memref<128x128xf32, #tpu.memory_space<vmem>>
    %dma_start3A_34 = arith.constant 0 : i32
    %dma_start3A_35 = tpu.memref_slice %arg6[%dma_start3A_28, %dma_start3A_34] : memref<200x128xi32, #tpu.memory_space<vmem>> -> memref<1x128xi32, #tpu.memory_space<vmem>>
    %dma_start3A_36 = tpu.memref_squeeze %dma_start3A_35 : memref<1x128xi32, #tpu.memory_space<vmem>> -> memref<128xi32, #tpu.memory_space<vmem>>
    %dma_start3A_37 = arith.constant 0 : i32
    %dma_start3A_38 = arith.constant 0 : i32
    %dma_start3A_39 = tpu.memref_slice %arg5[%dma_start3A_37, %dma_start3A_38] : memref<1002x128xf32, #tpu.memory_space<vmem_shared>> -> memref<1002x128xf32, #tpu.memory_space<vmem_shared>>
    tpu.enqueue_indirect_dma source(%dma_start3A_39 : memref<1002x128xf32, #tpu.memory_space<vmem_shared>>) target(%dma_start3A_33 : memref<128x128xf32, #tpu.memory_space<vmem>>) offsets(%dma_start3A_36 : memref<128xi32, #tpu.memory_space<vmem>>) semaphore(%arg8 : memref<!tpu.dma_semaphore, #tpu.memory_space<semaphore_mem>>)
    %dma_wait3A = arith.constant 0 : i32
    %dma_wait3A_40 = arith.constant 0 : i32
    %dma_wait3A_41 = arith.constant 0 : i32
    %dma_wait3A_42 = arith.constant 0 : i32
    %dma_wait3A_43 = tpu.memref_slice %arg7[%dma_wait3A_40, %dma_wait3A_41, %dma_wait3A_42] : memref<4x128x128xf32, #tpu.memory_space<vmem>> -> memref<1x128x128xf32, #tpu.memory_space<vmem>>
    %dma_wait3A_44 = tpu.memref_squeeze %dma_wait3A_43 : memref<1x128x128xf32, #tpu.memory_space<vmem>> -> memref<128x128xf32, #tpu.memory_space<vmem>>
    %dma_wait3A_45 = arith.constant 0 : i32
    %dma_wait3A_46 = tpu.memref_slice %arg6[%dma_wait3A, %dma_wait3A_45] : memref<200x128xi32, #tpu.memory_space<vmem>> -> memref<1x128xi32, #tpu.memory_space<vmem>>
    %dma_wait3A_47 = tpu.memref_squeeze %dma_wait3A_46 : memref<1x128xi32, #tpu.memory_space<vmem>> -> memref<128xi32, #tpu.memory_space<vmem>>
    %dma_wait3A_48 = arith.constant 0 : i32
    %dma_wait3A_49 = arith.constant 0 : i32
    %dma_wait3A_50 = tpu.memref_slice %arg5[%dma_wait3A_48, %dma_wait3A_49] : memref<1002x128xf32, #tpu.memory_space<vmem_shared>> -> memref<1002x128xf32, #tpu.memory_space<vmem_shared>>
    tpu.wait_indirect_dma semaphore(%arg8 : memref<!tpu.dma_semaphore, #tpu.memory_space<semaphore_mem>>) src(%dma_wait3A_50 : memref<1002x128xf32, #tpu.memory_space<vmem_shared>>) dst(%dma_wait3A_44 : memref<128x128xf32, #tpu.memory_space<vmem>>)
    %add3A_51 = arith.constant 0 : i32
    %add3A_52 = arith.addi %mul3A_2, %add3A_51 : i32
    %dma_start3A_53 = arith.constant 0 : i32
    %dma_start3A_54 = arith.constant 0 : i32
    %dma_start3A_55 = arith.constant 0 : i32
    %dma_start3A_56 = tpu.memref_slice %arg7[%dma_start3A_53, %dma_start3A_54, %dma_start3A_55] : memref<4x128x128xf32, #tpu.memory_space<vmem>> -> memref<1x128x128xf32, #tpu.memory_space<vmem>>
    %dma_start3A_57 = tpu.memref_squeeze %dma_start3A_56 : memref<1x128x128xf32, #tpu.memory_space<vmem>> -> memref<128x128xf32, #tpu.memory_space<vmem>>
    %dma_start3A_58 = arith.constant 0 : i32
    %dma_start3A_59 = tpu.memref_slice %arg4[%add3A_52, %dma_start3A_58] : memref<819200x128xf32, #tpu.memory_space<hbm>> -> memref<128x128xf32, #tpu.memory_space<hbm>>
    %dma_start3A_60 = arith.constant 0 : i32
    %dma_start3A_61 = tpu.memref_slice %arg4[%add3A_52, %dma_start3A_60] : memref<819200x128xf32, #tpu.memory_space<hbm>> -> memref<128x128xf32, #tpu.memory_space<hbm>>
    %dma_start3A_62 = arith.constant 0 : i32
    %dma_start3A_63 = arith.constant 0 : i32
    %dma_start3A_64 = tpu.memref_slice %arg7[%dma_start3A_53, %dma_start3A_62, %dma_start3A_63] : memref<4x128x128xf32, #tpu.memory_space<vmem>> -> memref<1x128x128xf32, #tpu.memory_space<vmem>>
    %dma_start3A_65 = tpu.memref_squeeze %dma_start3A_64 : memref<1x128x128xf32, #tpu.memory_space<vmem>> -> memref<128x128xf32, #tpu.memory_space<vmem>>
    tpu.enqueue_dma source(%dma_start3A_65 : memref<128x128xf32, #tpu.memory_space<vmem>>) target(%dma_start3A_61 : memref<128x128xf32, #tpu.memory_space<hbm>>) target_semaphore(%arg9 : memref<!tpu.dma_semaphore, #tpu.memory_space<semaphore_mem>>)
    %dma_start3A_66 = arith.constant 3 : i32
    %dma_start3A_67 = arith.constant 3 : i32
    %dma_start3A_68 = arith.constant 0 : i32
    %dma_start3A_69 = arith.constant 0 : i32
    %dma_start3A_70 = tpu.memref_slice %arg7[%dma_start3A_67, %dma_start3A_68, %dma_start3A_69] : memref<4x128x128xf32, #tpu.memory_space<vmem>> -> memref<1x128x128xf32, #tpu.memory_space<vmem>>
    %dma_start3A_71 = tpu.memref_squeeze %dma_start3A_70 : memref<1x128x128xf32, #tpu.memory_space<vmem>> -> memref<128x128xf32, #tpu.memory_space<vmem>>
    %dma_start3A_72 = arith.constant 0 : i32
    %dma_start3A_73 = tpu.memref_slice %arg6[%dma_start3A_66, %dma_start3A_72] : memref<200x128xi32, #tpu.memory_space<vmem>> -> memref<1x128xi32, #tpu.memory_space<vmem>>
    %dma_start3A_74 = tpu.memref_squeeze %dma_start3A_73 : memref<1x128xi32, #tpu.memory_space<vmem>> -> memref<128xi32, #tpu.memory_space<vmem>>
    %dma_start3A_75 = arith.constant 0 : i32
    %dma_start3A_76 = arith.constant 0 : i32
    %dma_start3A_77 = tpu.memref_slice %arg5[%dma_start3A_75, %dma_start3A_76] : memref<1002x128xf32, #tpu.memory_space<vmem_shared>> -> memref<1002x128xf32, #tpu.memory_space<vmem_shared>>
    tpu.enqueue_indirect_dma source(%dma_start3A_77 : memref<1002x128xf32, #tpu.memory_space<vmem_shared>>) target(%dma_start3A_71 : memref<128x128xf32, #tpu.memory_space<vmem>>) offsets(%dma_start3A_74 : memref<128xi32, #tpu.memory_space<vmem>>) semaphore(%arg8 : memref<!tpu.dma_semaphore, #tpu.memory_space<semaphore_mem>>)
    %dma_wait3A_78 = arith.constant 0 : i32
    %dma_wait3A_79 = arith.constant 1 : i32
    %dma_wait3A_80 = arith.constant 0 : i32
    %dma_wait3A_81 = arith.constant 0 : i32
    %dma_wait3A_82 = tpu.memref_slice %arg7[%dma_wait3A_79, %dma_wait3A_80, %dma_wait3A_81] : memref<4x128x128xf32, #tpu.memory_space<vmem>> -> memref<1x128x128xf32, #tpu.memory_space<vmem>>
    %dma_wait3A_83 = tpu.memref_squeeze %dma_wait3A_82 : memref<1x128x128xf32, #tpu.memory_space<vmem>> -> memref<128x128xf32, #tpu.memory_space<vmem>>
    %dma_wait3A_84 = arith.constant 0 : i32
    %dma_wait3A_85 = tpu.memref_slice %arg6[%dma_wait3A_78, %dma_wait3A_84] : memref<200x128xi32, #tpu.memory_space<vmem>> -> memref<1x128xi32, #tpu.memory_space<vmem>>
    %dma_wait3A_86 = tpu.memref_squeeze %dma_wait3A_85 : memref<1x128xi32, #tpu.memory_space<vmem>> -> memref<128xi32, #tpu.memory_space<vmem>>
    %dma_wait3A_87 = arith.constant 0 : i32
    %dma_wait3A_88 = arith.constant 0 : i32
    %dma_wait3A_89 = tpu.memref_slice %arg5[%dma_wait3A_87, %dma_wait3A_88] : memref<1002x128xf32, #tpu.memory_space<vmem_shared>> -> memref<1002x128xf32, #tpu.memory_space<vmem_shared>>
    tpu.wait_indirect_dma semaphore(%arg8 : memref<!tpu.dma_semaphore, #tpu.memory_space<semaphore_mem>>) src(%dma_wait3A_89 : memref<1002x128xf32, #tpu.memory_space<vmem_shared>>) dst(%dma_wait3A_83 : memref<128x128xf32, #tpu.memory_space<vmem>>)
    %add3A_90 = arith.constant 128 : i32
    %add3A_91 = arith.addi %mul3A_2, %add3A_90 : i32
    %dma_start3A_92 = arith.constant 1 : i32
    %dma_start3A_93 = arith.constant 0 : i32
    %dma_start3A_94 = arith.constant 0 : i32
    %dma_start3A_95 = tpu.memref_slice %arg7[%dma_start3A_92, %dma_start3A_93, %dma_start3A_94] : memref<4x128x128xf32, #tpu.memory_space<vmem>> -> memref<1x128x128xf32, #tpu.memory_space<vmem>>
    %dma_start3A_96 = tpu.memref_squeeze %dma_start3A_95 : memref<1x128x128xf32, #tpu.memory_space<vmem>> -> memref<128x128xf32, #tpu.memory_space<vmem>>
    %dma_start3A_97 = arith.constant 0 : i32
    %dma_start3A_98 = tpu.memref_slice %arg4[%add3A_91, %dma_start3A_97] : memref<819200x128xf32, #tpu.memory_space<hbm>> -> memref<128x128xf32, #tpu.memory_space<hbm>>
    %dma_start3A_99 = arith.constant 0 : i32
    %dma_start3A_100 = tpu.memref_slice %arg4[%add3A_91, %dma_start3A_99] : memref<819200x128xf32, #tpu.memory_space<hbm>> -> memref<128x128xf32, #tpu.memory_space<hbm>>
    %dma_start3A_101 = arith.constant 0 : i32
    %dma_start3A_102 = arith.constant 0 : i32
    %dma_start3A_103 = tpu.memref_slice %arg7[%dma_start3A_92, %dma_start3A_101, %dma_start3A_102] : memref<4x128x128xf32, #tpu.memory_space<vmem>> -> memref<1x128x128xf32, #tpu.memory_space<vmem>>
    %dma_start3A_104 = tpu.memref_squeeze %dma_start3A_103 : memref<1x128x128xf32, #tpu.memory_space<vmem>> -> memref<128x128xf32, #tpu.memory_space<vmem>>
    tpu.enqueue_dma source(%dma_start3A_104 : memref<128x128xf32, #tpu.memory_space<vmem>>) target(%dma_start3A_100 : memref<128x128xf32, #tpu.memory_space<hbm>>) target_semaphore(%arg9 : memref<!tpu.dma_semaphore, #tpu.memory_space<semaphore_mem>>)
    %scan3A = arith.constant 0 : i32
    %scan3A_105 = arith.constant 49 : i32
    %scan3A_106 = arith.addi %scan3A, %scan3A_105 : i32
    %scan3A_107 = arith.constant 1 : i32
    scf.for %scan3A_223 = %scan3A to %scan3A_106 step %scan3A_107  : i32 {
      %mul3A_224 = arith.constant 4 : i32
      %mul3A_225 = arith.muli %scan3A_223, %mul3A_224 : i32
      %add3A_226 = arith.constant 2 : i32
      %add3A_227 = arith.addi %add3A_226, %mul3A_225 : i32
      %add3A_228 = arith.constant 0 : i32
      %add3A_229 = arith.addi %add3A_227, %add3A_228 : i32
      %sub3A = arith.constant 2 : i32
      %sub3A_230 = arith.subi %add3A_229, %sub3A : i32
      %mul3A_231 = arith.constant 128 : i32
      %mul3A_232 = arith.muli %sub3A_230, %mul3A_231 : i32
      %add3A_233 = arith.addi %mul3A_2, %mul3A_232 : i32
      %dma_wait3A_234 = arith.constant 0 : i32
      %dma_wait3A_235 = arith.constant 0 : i32
      %dma_wait3A_236 = arith.constant 0 : i32
      %dma_wait3A_237 = tpu.memref_slice %arg7[%dma_wait3A_234, %dma_wait3A_235, %dma_wait3A_236] : memref<4x128x128xf32, #tpu.memory_space<vmem>> -> memref<1x128x128xf32, #tpu.memory_space<vmem>>
      %dma_wait3A_238 = tpu.memref_squeeze %dma_wait3A_237 : memref<1x128x128xf32, #tpu.memory_space<vmem>> -> memref<128x128xf32, #tpu.memory_space<vmem>>
      %dma_wait3A_239 = arith.constant 0 : i32
      %dma_wait3A_240 = tpu.memref_slice %arg4[%add3A_233, %dma_wait3A_239] : memref<819200x128xf32, #tpu.memory_space<hbm>> -> memref<128x128xf32, #tpu.memory_space<hbm>>
      %dma_wait3A_241 = arith.constant 0 : i32
      %dma_wait3A_242 = tpu.memref_slice %arg4[%add3A_233, %dma_wait3A_241] : memref<819200x128xf32, #tpu.memory_space<hbm>> -> memref<128x128xf32, #tpu.memory_space<hbm>>
      %dma_wait3A_243 = arith.constant 0 : i32
      %dma_wait3A_244 = arith.constant 0 : i32
      %dma_wait3A_245 = tpu.memref_slice %arg7[%dma_wait3A_234, %dma_wait3A_243, %dma_wait3A_244] : memref<4x128x128xf32, #tpu.memory_space<vmem>> -> memref<1x128x128xf32, #tpu.memory_space<vmem>>
      %dma_wait3A_246 = tpu.memref_squeeze %dma_wait3A_245 : memref<1x128x128xf32, #tpu.memory_space<vmem>> -> memref<128x128xf32, #tpu.memory_space<vmem>>
      tpu.wait_dma2 semaphore(%arg9 : memref<!tpu.dma_semaphore, #tpu.memory_space<semaphore_mem>>) src(%dma_wait3A_246 : memref<128x128xf32, #tpu.memory_space<vmem>>) dst(%dma_wait3A_242 : memref<128x128xf32, #tpu.memory_space<hbm>>)
      %add3A_247 = arith.constant 2 : i32
      %add3A_248 = arith.addi %add3A_229, %add3A_247 : i32
      %dma_start3A_249 = arith.constant 0 : i32
      %dma_start3A_250 = arith.constant 0 : i32
      %dma_start3A_251 = arith.constant 0 : i32
      %dma_start3A_252 = tpu.memref_slice %arg7[%dma_start3A_249, %dma_start3A_250, %dma_start3A_251] : memref<4x128x128xf32, #tpu.memory_space<vmem>> -> memref<1x128x128xf32, #tpu.memory_space<vmem>>
      %dma_start3A_253 = tpu.memref_squeeze %dma_start3A_252 : memref<1x128x128xf32, #tpu.memory_space<vmem>> -> memref<128x128xf32, #tpu.memory_space<vmem>>
      %dma_start3A_254 = arith.constant 0 : i32
      %dma_start3A_255 = tpu.memref_slice %arg6[%add3A_248, %dma_start3A_254] : memref<200x128xi32, #tpu.memory_space<vmem>> -> memref<1x128xi32, #tpu.memory_space<vmem>>
      %dma_start3A_256 = tpu.memref_squeeze %dma_start3A_255 : memref<1x128xi32, #tpu.memory_space<vmem>> -> memref<128xi32, #tpu.memory_space<vmem>>
      %dma_start3A_257 = arith.constant 0 : i32
      %dma_start3A_258 = arith.constant 0 : i32
      %dma_start3A_259 = tpu.memref_slice %arg5[%dma_start3A_257, %dma_start3A_258] : memref<1002x128xf32, #tpu.memory_space<vmem_shared>> -> memref<1002x128xf32, #tpu.memory_space<vmem_shared>>
      tpu.enqueue_indirect_dma source(%dma_start3A_259 : memref<1002x128xf32, #tpu.memory_space<vmem_shared>>) target(%dma_start3A_253 : memref<128x128xf32, #tpu.memory_space<vmem>>) offsets(%dma_start3A_256 : memref<128xi32, #tpu.memory_space<vmem>>) semaphore(%arg8 : memref<!tpu.dma_semaphore, #tpu.memory_space<semaphore_mem>>)
      %dma_wait3A_260 = arith.constant 0 : i32
      %dma_wait3A_261 = arith.constant 2 : i32
      %dma_wait3A_262 = arith.constant 0 : i32
      %dma_wait3A_263 = arith.constant 0 : i32
      %dma_wait3A_264 = tpu.memref_slice %arg7[%dma_wait3A_261, %dma_wait3A_262, %dma_wait3A_263] : memref<4x128x128xf32, #tpu.memory_space<vmem>> -> memref<1x128x128xf32, #tpu.memory_space<vmem>>
      %dma_wait3A_265 = tpu.memref_squeeze %dma_wait3A_264 : memref<1x128x128xf32, #tpu.memory_space<vmem>> -> memref<128x128xf32, #tpu.memory_space<vmem>>
      %dma_wait3A_266 = arith.constant 0 : i32
      %dma_wait3A_267 = tpu.memref_slice %arg6[%dma_wait3A_260, %dma_wait3A_266] : memref<200x128xi32, #tpu.memory_space<vmem>> -> memref<1x128xi32, #tpu.memory_space<vmem>>
      %dma_wait3A_268 = tpu.memref_squeeze %dma_wait3A_267 : memref<1x128xi32, #tpu.memory_space<vmem>> -> memref<128xi32, #tpu.memory_space<vmem>>
      %dma_wait3A_269 = arith.constant 0 : i32
      %dma_wait3A_270 = arith.constant 0 : i32
      %dma_wait3A_271 = tpu.memref_slice %arg5[%dma_wait3A_269, %dma_wait3A_270] : memref<1002x128xf32, #tpu.memory_space<vmem_shared>> -> memref<1002x128xf32, #tpu.memory_space<vmem_shared>>
      tpu.wait_indirect_dma semaphore(%arg8 : memref<!tpu.dma_semaphore, #tpu.memory_space<semaphore_mem>>) src(%dma_wait3A_271 : memref<1002x128xf32, #tpu.memory_space<vmem_shared>>) dst(%dma_wait3A_265 : memref<128x128xf32, #tpu.memory_space<vmem>>)
      %mul3A_272 = arith.constant 128 : i32
      %mul3A_273 = arith.muli %add3A_229, %mul3A_272 : i32
      %add3A_274 = arith.addi %mul3A_2, %mul3A_273 : i32
      %dma_start3A_275 = arith.constant 2 : i32
      %dma_start3A_276 = arith.constant 0 : i32
      %dma_start3A_277 = arith.constant 0 : i32
      %dma_start3A_278 = tpu.memref_slice %arg7[%dma_start3A_275, %dma_start3A_276, %dma_start3A_277] : memref<4x128x128xf32, #tpu.memory_space<vmem>> -> memref<1x128x128xf32, #tpu.memory_space<vmem>>
      %dma_start3A_279 = tpu.memref_squeeze %dma_start3A_278 : memref<1x128x128xf32, #tpu.memory_space<vmem>> -> memref<128x128xf32, #tpu.memory_space<vmem>>
      %dma_start3A_280 = arith.constant 0 : i32
      %dma_start3A_281 = tpu.memref_slice %arg4[%add3A_274, %dma_start3A_280] : memref<819200x128xf32, #tpu.memory_space<hbm>> -> memref<128x128xf32, #tpu.memory_space<hbm>>
      %dma_start3A_282 = arith.constant 0 : i32
      %dma_start3A_283 = tpu.memref_slice %arg4[%add3A_274, %dma_start3A_282] : memref<819200x128xf32, #tpu.memory_space<hbm>> -> memref<128x128xf32, #tpu.memory_space<hbm>>
      %dma_start3A_284 = arith.constant 0 : i32
      %dma_start3A_285 = arith.constant 0 : i32
      %dma_start3A_286 = tpu.memref_slice %arg7[%dma_start3A_275, %dma_start3A_284, %dma_start3A_285] : memref<4x128x128xf32, #tpu.memory_space<vmem>> -> memref<1x128x128xf32, #tpu.memory_space<vmem>>
      %dma_start3A_287 = tpu.memref_squeeze %dma_start3A_286 : memref<1x128x128xf32, #tpu.memory_space<vmem>> -> memref<128x128xf32, #tpu.memory_space<vmem>>
      tpu.enqueue_dma source(%dma_start3A_287 : memref<128x128xf32, #tpu.memory_space<vmem>>) target(%dma_start3A_283 : memref<128x128xf32, #tpu.memory_space<hbm>>) target_semaphore(%arg9 : memref<!tpu.dma_semaphore, #tpu.memory_space<semaphore_mem>>)
      %add3A_288 = arith.constant 1 : i32
      %add3A_289 = arith.addi %add3A_227, %add3A_288 : i32
      %sub3A_290 = arith.constant 2 : i32
      %sub3A_291 = arith.subi %add3A_289, %sub3A_290 : i32
      %mul3A_292 = arith.constant 128 : i32
      %mul3A_293 = arith.muli %sub3A_291, %mul3A_292 : i32
      %add3A_294 = arith.addi %mul3A_2, %mul3A_293 : i32
      %dma_wait3A_295 = arith.constant 1 : i32
      %dma_wait3A_296 = arith.constant 0 : i32
      %dma_wait3A_297 = arith.constant 0 : i32
      %dma_wait3A_298 = tpu.memref_slice %arg7[%dma_wait3A_295, %dma_wait3A_296, %dma_wait3A_297] : memref<4x128x128xf32, #tpu.memory_space<vmem>> -> memref<1x128x128xf32, #tpu.memory_space<vmem>>
      %dma_wait3A_299 = tpu.memref_squeeze %dma_wait3A_298 : memref<1x128x128xf32, #tpu.memory_space<vmem>> -> memref<128x128xf32, #tpu.memory_space<vmem>>
      %dma_wait3A_300 = arith.constant 0 : i32
      %dma_wait3A_301 = tpu.memref_slice %arg4[%add3A_294, %dma_wait3A_300] : memref<819200x128xf32, #tpu.memory_space<hbm>> -> memref<128x128xf32, #tpu.memory_space<hbm>>
      %dma_wait3A_302 = arith.constant 0 : i32
      %dma_wait3A_303 = tpu.memref_slice %arg4[%add3A_294, %dma_wait3A_302] : memref<819200x128xf32, #tpu.memory_space<hbm>> -> memref<128x128xf32, #tpu.memory_space<hbm>>
      %dma_wait3A_304 = arith.constant 0 : i32
      %dma_wait3A_305 = arith.constant 0 : i32
      %dma_wait3A_306 = tpu.memref_slice %arg7[%dma_wait3A_295, %dma_wait3A_304, %dma_wait3A_305] : memref<4x128x128xf32, #tpu.memory_space<vmem>> -> memref<1x128x128xf32, #tpu.memory_space<vmem>>
      %dma_wait3A_307 = tpu.memref_squeeze %dma_wait3A_306 : memref<1x128x128xf32, #tpu.memory_space<vmem>> -> memref<128x128xf32, #tpu.memory_space<vmem>>
      tpu.wait_dma2 semaphore(%arg9 : memref<!tpu.dma_semaphore, #tpu.memory_space<semaphore_mem>>) src(%dma_wait3A_307 : memref<128x128xf32, #tpu.memory_space<vmem>>) dst(%dma_wait3A_303 : memref<128x128xf32, #tpu.memory_space<hbm>>)
      %add3A_308 = arith.constant 2 : i32
      %add3A_309 = arith.addi %add3A_289, %add3A_308 : i32
      %dma_start3A_310 = arith.constant 1 : i32
      %dma_start3A_311 = arith.constant 0 : i32
      %dma_start3A_312 = arith.constant 0 : i32
      %dma_start3A_313 = tpu.memref_slice %arg7[%dma_start3A_310, %dma_start3A_311, %dma_start3A_312] : memref<4x128x128xf32, #tpu.memory_space<vmem>> -> memref<1x128x128xf32, #tpu.memory_space<vmem>>
      %dma_start3A_314 = tpu.memref_squeeze %dma_start3A_313 : memref<1x128x128xf32, #tpu.memory_space<vmem>> -> memref<128x128xf32, #tpu.memory_space<vmem>>
      %dma_start3A_315 = arith.constant 0 : i32
      %dma_start3A_316 = tpu.memref_slice %arg6[%add3A_309, %dma_start3A_315] : memref<200x128xi32, #tpu.memory_space<vmem>> -> memref<1x128xi32, #tpu.memory_space<vmem>>
      %dma_start3A_317 = tpu.memref_squeeze %dma_start3A_316 : memref<1x128xi32, #tpu.memory_space<vmem>> -> memref<128xi32, #tpu.memory_space<vmem>>
      %dma_start3A_318 = arith.constant 0 : i32
      %dma_start3A_319 = arith.constant 0 : i32
      %dma_start3A_320 = tpu.memref_slice %arg5[%dma_start3A_318, %dma_start3A_319] : memref<1002x128xf32, #tpu.memory_space<vmem_shared>> -> memref<1002x128xf32, #tpu.memory_space<vmem_shared>>
      tpu.enqueue_indirect_dma source(%dma_start3A_320 : memref<1002x128xf32, #tpu.memory_space<vmem_shared>>) target(%dma_start3A_314 : memref<128x128xf32, #tpu.memory_space<vmem>>) offsets(%dma_start3A_317 : memref<128xi32, #tpu.memory_space<vmem>>) semaphore(%arg8 : memref<!tpu.dma_semaphore, #tpu.memory_space<semaphore_mem>>)
      %dma_wait3A_321 = arith.constant 0 : i32
      %dma_wait3A_322 = arith.constant 3 : i32
      %dma_wait3A_323 = arith.constant 0 : i32
      %dma_wait3A_324 = arith.constant 0 : i32
      %dma_wait3A_325 = tpu.memref_slice %arg7[%dma_wait3A_322, %dma_wait3A_323, %dma_wait3A_324] : memref<4x128x128xf32, #tpu.memory_space<vmem>> -> memref<1x128x128xf32, #tpu.memory_space<vmem>>
      %dma_wait3A_326 = tpu.memref_squeeze %dma_wait3A_325 : memref<1x128x128xf32, #tpu.memory_space<vmem>> -> memref<128x128xf32, #tpu.memory_space<vmem>>
      %dma_wait3A_327 = arith.constant 0 : i32
      %dma_wait3A_328 = tpu.memref_slice %arg6[%dma_wait3A_321, %dma_wait3A_327] : memref<200x128xi32, #tpu.memory_space<vmem>> -> memref<1x128xi32, #tpu.memory_space<vmem>>
      %dma_wait3A_329 = tpu.memref_squeeze %dma_wait3A_328 : memref<1x128xi32, #tpu.memory_space<vmem>> -> memref<128xi32, #tpu.memory_space<vmem>>
      %dma_wait3A_330 = arith.constant 0 : i32
      %dma_wait3A_331 = arith.constant 0 : i32
      %dma_wait3A_332 = tpu.memref_slice %arg5[%dma_wait3A_330, %dma_wait3A_331] : memref<1002x128xf32, #tpu.memory_space<vmem_shared>> -> memref<1002x128xf32, #tpu.memory_space<vmem_shared>>
      tpu.wait_indirect_dma semaphore(%arg8 : memref<!tpu.dma_semaphore, #tpu.memory_space<semaphore_mem>>) src(%dma_wait3A_332 : memref<1002x128xf32, #tpu.memory_space<vmem_shared>>) dst(%dma_wait3A_326 : memref<128x128xf32, #tpu.memory_space<vmem>>)
      %mul3A_333 = arith.constant 128 : i32
      %mul3A_334 = arith.muli %add3A_289, %mul3A_333 : i32
      %add3A_335 = arith.addi %mul3A_2, %mul3A_334 : i32
      %dma_start3A_336 = arith.constant 3 : i32
      %dma_start3A_337 = arith.constant 0 : i32
      %dma_start3A_338 = arith.constant 0 : i32
      %dma_start3A_339 = tpu.memref_slice %arg7[%dma_start3A_336, %dma_start3A_337, %dma_start3A_338] : memref<4x128x128xf32, #tpu.memory_space<vmem>> -> memref<1x128x128xf32, #tpu.memory_space<vmem>>
      %dma_start3A_340 = tpu.memref_squeeze %dma_start3A_339 : memref<1x128x128xf32, #tpu.memory_space<vmem>> -> memref<128x128xf32, #tpu.memory_space<vmem>>
      %dma_start3A_341 = arith.constant 0 : i32
      %dma_start3A_342 = tpu.memref_slice %arg4[%add3A_335, %dma_start3A_341] : memref<819200x128xf32, #tpu.memory_space<hbm>> -> memref<128x128xf32, #tpu.memory_space<hbm>>
      %dma_start3A_343 = arith.constant 0 : i32
      %dma_start3A_344 = tpu.memref_slice %arg4[%add3A_335, %dma_start3A_343] : memref<819200x128xf32, #tpu.memory_space<hbm>> -> memref<128x128xf32, #tpu.memory_space<hbm>>
      %dma_start3A_345 = arith.constant 0 : i32
      %dma_start3A_346 = arith.constant 0 : i32
      %dma_start3A_347 = tpu.memref_slice %arg7[%dma_start3A_336, %dma_start3A_345, %dma_start3A_346] : memref<4x128x128xf32, #tpu.memory_space<vmem>> -> memref<1x128x128xf32, #tpu.memory_space<vmem>>
      %dma_start3A_348 = tpu.memref_squeeze %dma_start3A_347 : memref<1x128x128xf32, #tpu.memory_space<vmem>> -> memref<128x128xf32, #tpu.memory_space<vmem>>
      tpu.enqueue_dma source(%dma_start3A_348 : memref<128x128xf32, #tpu.memory_space<vmem>>) target(%dma_start3A_344 : memref<128x128xf32, #tpu.memory_space<hbm>>) target_semaphore(%arg9 : memref<!tpu.dma_semaphore, #tpu.memory_space<semaphore_mem>>)
      %add3A_349 = arith.constant 2 : i32
      %add3A_350 = arith.addi %add3A_227, %add3A_349 : i32
      %sub3A_351 = arith.constant 2 : i32
      %sub3A_352 = arith.subi %add3A_350, %sub3A_351 : i32
      %mul3A_353 = arith.constant 128 : i32
      %mul3A_354 = arith.muli %sub3A_352, %mul3A_353 : i32
      %add3A_355 = arith.addi %mul3A_2, %mul3A_354 : i32
      %dma_wait3A_356 = arith.constant 2 : i32
      %dma_wait3A_357 = arith.constant 0 : i32
      %dma_wait3A_358 = arith.constant 0 : i32
      %dma_wait3A_359 = tpu.memref_slice %arg7[%dma_wait3A_356, %dma_wait3A_357, %dma_wait3A_358] : memref<4x128x128xf32, #tpu.memory_space<vmem>> -> memref<1x128x128xf32, #tpu.memory_space<vmem>>
      %dma_wait3A_360 = tpu.memref_squeeze %dma_wait3A_359 : memref<1x128x128xf32, #tpu.memory_space<vmem>> -> memref<128x128xf32, #tpu.memory_space<vmem>>
      %dma_wait3A_361 = arith.constant 0 : i32
      %dma_wait3A_362 = tpu.memref_slice %arg4[%add3A_355, %dma_wait3A_361] : memref<819200x128xf32, #tpu.memory_space<hbm>> -> memref<128x128xf32, #tpu.memory_space<hbm>>
      %dma_wait3A_363 = arith.constant 0 : i32
      %dma_wait3A_364 = tpu.memref_slice %arg4[%add3A_355, %dma_wait3A_363] : memref<819200x128xf32, #tpu.memory_space<hbm>> -> memref<128x128xf32, #tpu.memory_space<hbm>>
      %dma_wait3A_365 = arith.constant 0 : i32
      %dma_wait3A_366 = arith.constant 0 : i32
      %dma_wait3A_367 = tpu.memref_slice %arg7[%dma_wait3A_356, %dma_wait3A_365, %dma_wait3A_366] : memref<4x128x128xf32, #tpu.memory_space<vmem>> -> memref<1x128x128xf32, #tpu.memory_space<vmem>>
      %dma_wait3A_368 = tpu.memref_squeeze %dma_wait3A_367 : memref<1x128x128xf32, #tpu.memory_space<vmem>> -> memref<128x128xf32, #tpu.memory_space<vmem>>
      tpu.wait_dma2 semaphore(%arg9 : memref<!tpu.dma_semaphore, #tpu.memory_space<semaphore_mem>>) src(%dma_wait3A_368 : memref<128x128xf32, #tpu.memory_space<vmem>>) dst(%dma_wait3A_364 : memref<128x128xf32, #tpu.memory_space<hbm>>)
      %add3A_369 = arith.constant 2 : i32
      %add3A_370 = arith.addi %add3A_350, %add3A_369 : i32
      %dma_start3A_371 = arith.constant 2 : i32
      %dma_start3A_372 = arith.constant 0 : i32
      %dma_start3A_373 = arith.constant 0 : i32
      %dma_start3A_374 = tpu.memref_slice %arg7[%dma_start3A_371, %dma_start3A_372, %dma_start3A_373] : memref<4x128x128xf32, #tpu.memory_space<vmem>> -> memref<1x128x128xf32, #tpu.memory_space<vmem>>
      %dma_start3A_375 = tpu.memref_squeeze %dma_start3A_374 : memref<1x128x128xf32, #tpu.memory_space<vmem>> -> memref<128x128xf32, #tpu.memory_space<vmem>>
      %dma_start3A_376 = arith.constant 0 : i32
      %dma_start3A_377 = tpu.memref_slice %arg6[%add3A_370, %dma_start3A_376] : memref<200x128xi32, #tpu.memory_space<vmem>> -> memref<1x128xi32, #tpu.memory_space<vmem>>
      %dma_start3A_378 = tpu.memref_squeeze %dma_start3A_377 : memref<1x128xi32, #tpu.memory_space<vmem>> -> memref<128xi32, #tpu.memory_space<vmem>>
      %dma_start3A_379 = arith.constant 0 : i32
      %dma_start3A_380 = arith.constant 0 : i32
      %dma_start3A_381 = tpu.memref_slice %arg5[%dma_start3A_379, %dma_start3A_380] : memref<1002x128xf32, #tpu.memory_space<vmem_shared>> -> memref<1002x128xf32, #tpu.memory_space<vmem_shared>>
      tpu.enqueue_indirect_dma source(%dma_start3A_381 : memref<1002x128xf32, #tpu.memory_space<vmem_shared>>) target(%dma_start3A_375 : memref<128x128xf32, #tpu.memory_space<vmem>>) offsets(%dma_start3A_378 : memref<128xi32, #tpu.memory_space<vmem>>) semaphore(%arg8 : memref<!tpu.dma_semaphore, #tpu.memory_space<semaphore_mem>>)
      %dma_wait3A_382 = arith.constant 0 : i32
      %dma_wait3A_383 = arith.constant 0 : i32
      %dma_wait3A_384 = arith.constant 0 : i32
      %dma_wait3A_385 = arith.constant 0 : i32
      %dma_wait3A_386 = tpu.memref_slice %arg7[%dma_wait3A_383, %dma_wait3A_384, %dma_wait3A_385] : memref<4x128x128xf32, #tpu.memory_space<vmem>> -> memref<1x128x128xf32, #tpu.memory_space<vmem>>
      %dma_wait3A_387 = tpu.memref_squeeze %dma_wait3A_386 : memref<1x128x128xf32, #tpu.memory_space<vmem>> -> memref<128x128xf32, #tpu.memory_space<vmem>>
      %dma_wait3A_388 = arith.constant 0 : i32
      %dma_wait3A_389 = tpu.memref_slice %arg6[%dma_wait3A_382, %dma_wait3A_388] : memref<200x128xi32, #tpu.memory_space<vmem>> -> memref<1x128xi32, #tpu.memory_space<vmem>>
      %dma_wait3A_390 = tpu.memref_squeeze %dma_wait3A_389 : memref<1x128xi32, #tpu.memory_space<vmem>> -> memref<128xi32, #tpu.memory_space<vmem>>
      %dma_wait3A_391 = arith.constant 0 : i32
      %dma_wait3A_392 = arith.constant 0 : i32
      %dma_wait3A_393 = tpu.memref_slice %arg5[%dma_wait3A_391, %dma_wait3A_392] : memref<1002x128xf32, #tpu.memory_space<vmem_shared>> -> memref<1002x128xf32, #tpu.memory_space<vmem_shared>>
      tpu.wait_indirect_dma semaphore(%arg8 : memref<!tpu.dma_semaphore, #tpu.memory_space<semaphore_mem>>) src(%dma_wait3A_393 : memref<1002x128xf32, #tpu.memory_space<vmem_shared>>) dst(%dma_wait3A_387 : memref<128x128xf32, #tpu.memory_space<vmem>>)
      %mul3A_394 = arith.constant 128 : i32
      %mul3A_395 = arith.muli %add3A_350, %mul3A_394 : i32
      %add3A_396 = arith.addi %mul3A_2, %mul3A_395 : i32
      %dma_start3A_397 = arith.constant 0 : i32
      %dma_start3A_398 = arith.constant 0 : i32
      %dma_start3A_399 = arith.constant 0 : i32
      %dma_start3A_400 = tpu.memref_slice %arg7[%dma_start3A_397, %dma_start3A_398, %dma_start3A_399] : memref<4x128x128xf32, #tpu.memory_space<vmem>> -> memref<1x128x128xf32, #tpu.memory_space<vmem>>
      %dma_start3A_401 = tpu.memref_squeeze %dma_start3A_400 : memref<1x128x128xf32, #tpu.memory_space<vmem>> -> memref<128x128xf32, #tpu.memory_space<vmem>>
      %dma_start3A_402 = arith.constant 0 : i32
      %dma_start3A_403 = tpu.memref_slice %arg4[%add3A_396, %dma_start3A_402] : memref<819200x128xf32, #tpu.memory_space<hbm>> -> memref<128x128xf32, #tpu.memory_space<hbm>>
      %dma_start3A_404 = arith.constant 0 : i32
      %dma_start3A_405 = tpu.memref_slice %arg4[%add3A_396, %dma_start3A_404] : memref<819200x128xf32, #tpu.memory_space<hbm>> -> memref<128x128xf32, #tpu.memory_space<hbm>>
      %dma_start3A_406 = arith.constant 0 : i32
      %dma_start3A_407 = arith.constant 0 : i32
      %dma_start3A_408 = tpu.memref_slice %arg7[%dma_start3A_397, %dma_start3A_406, %dma_start3A_407] : memref<4x128x128xf32, #tpu.memory_space<vmem>> -> memref<1x128x128xf32, #tpu.memory_space<vmem>>
      %dma_start3A_409 = tpu.memref_squeeze %dma_start3A_408 : memref<1x128x128xf32, #tpu.memory_space<vmem>> -> memref<128x128xf32, #tpu.memory_space<vmem>>
      tpu.enqueue_dma source(%dma_start3A_409 : memref<128x128xf32, #tpu.memory_space<vmem>>) target(%dma_start3A_405 : memref<128x128xf32, #tpu.memory_space<hbm>>) target_semaphore(%arg9 : memref<!tpu.dma_semaphore, #tpu.memory_space<semaphore_mem>>)
      %add3A_410 = arith.constant 3 : i32
      %add3A_411 = arith.addi %add3A_227, %add3A_410 : i32
      %sub3A_412 = arith.constant 2 : i32
      %sub3A_413 = arith.subi %add3A_411, %sub3A_412 : i32
      %mul3A_414 = arith.constant 128 : i32
      %mul3A_415 = arith.muli %sub3A_413, %mul3A_414 : i32
      %add3A_416 = arith.addi %mul3A_2, %mul3A_415 : i32
      %dma_wait3A_417 = arith.constant 3 : i32
      %dma_wait3A_418 = arith.constant 0 : i32
      %dma_wait3A_419 = arith.constant 0 : i32
      %dma_wait3A_420 = tpu.memref_slice %arg7[%dma_wait3A_417, %dma_wait3A_418, %dma_wait3A_419] : memref<4x128x128xf32, #tpu.memory_space<vmem>> -> memref<1x128x128xf32, #tpu.memory_space<vmem>>
      %dma_wait3A_421 = tpu.memref_squeeze %dma_wait3A_420 : memref<1x128x128xf32, #tpu.memory_space<vmem>> -> memref<128x128xf32, #tpu.memory_space<vmem>>
      %dma_wait3A_422 = arith.constant 0 : i32
      %dma_wait3A_423 = tpu.memref_slice %arg4[%add3A_416, %dma_wait3A_422] : memref<819200x128xf32, #tpu.memory_space<hbm>> -> memref<128x128xf32, #tpu.memory_space<hbm>>
      %dma_wait3A_424 = arith.constant 0 : i32
      %dma_wait3A_425 = tpu.memref_slice %arg4[%add3A_416, %dma_wait3A_424] : memref<819200x128xf32, #tpu.memory_space<hbm>> -> memref<128x128xf32, #tpu.memory_space<hbm>>
      %dma_wait3A_426 = arith.constant 0 : i32
      %dma_wait3A_427 = arith.constant 0 : i32
      %dma_wait3A_428 = tpu.memref_slice %arg7[%dma_wait3A_417, %dma_wait3A_426, %dma_wait3A_427] : memref<4x128x128xf32, #tpu.memory_space<vmem>> -> memref<1x128x128xf32, #tpu.memory_space<vmem>>
      %dma_wait3A_429 = tpu.memref_squeeze %dma_wait3A_428 : memref<1x128x128xf32, #tpu.memory_space<vmem>> -> memref<128x128xf32, #tpu.memory_space<vmem>>
      tpu.wait_dma2 semaphore(%arg9 : memref<!tpu.dma_semaphore, #tpu.memory_space<semaphore_mem>>) src(%dma_wait3A_429 : memref<128x128xf32, #tpu.memory_space<vmem>>) dst(%dma_wait3A_425 : memref<128x128xf32, #tpu.memory_space<hbm>>)
      %add3A_430 = arith.constant 2 : i32
      %add3A_431 = arith.addi %add3A_411, %add3A_430 : i32
      %dma_start3A_432 = arith.constant 3 : i32
      %dma_start3A_433 = arith.constant 0 : i32
      %dma_start3A_434 = arith.constant 0 : i32
      %dma_start3A_435 = tpu.memref_slice %arg7[%dma_start3A_432, %dma_start3A_433, %dma_start3A_434] : memref<4x128x128xf32, #tpu.memory_space<vmem>> -> memref<1x128x128xf32, #tpu.memory_space<vmem>>
      %dma_start3A_436 = tpu.memref_squeeze %dma_start3A_435 : memref<1x128x128xf32, #tpu.memory_space<vmem>> -> memref<128x128xf32, #tpu.memory_space<vmem>>
      %dma_start3A_437 = arith.constant 0 : i32
      %dma_start3A_438 = tpu.memref_slice %arg6[%add3A_431, %dma_start3A_437] : memref<200x128xi32, #tpu.memory_space<vmem>> -> memref<1x128xi32, #tpu.memory_space<vmem>>
      %dma_start3A_439 = tpu.memref_squeeze %dma_start3A_438 : memref<1x128xi32, #tpu.memory_space<vmem>> -> memref<128xi32, #tpu.memory_space<vmem>>
      %dma_start3A_440 = arith.constant 0 : i32
      %dma_start3A_441 = arith.constant 0 : i32
      %dma_start3A_442 = tpu.memref_slice %arg5[%dma_start3A_440, %dma_start3A_441] : memref<1002x128xf32, #tpu.memory_space<vmem_shared>> -> memref<1002x128xf32, #tpu.memory_space<vmem_shared>>
      tpu.enqueue_indirect_dma source(%dma_start3A_442 : memref<1002x128xf32, #tpu.memory_space<vmem_shared>>) target(%dma_start3A_436 : memref<128x128xf32, #tpu.memory_space<vmem>>) offsets(%dma_start3A_439 : memref<128xi32, #tpu.memory_space<vmem>>) semaphore(%arg8 : memref<!tpu.dma_semaphore, #tpu.memory_space<semaphore_mem>>)
      %dma_wait3A_443 = arith.constant 0 : i32
      %dma_wait3A_444 = arith.constant 1 : i32
      %dma_wait3A_445 = arith.constant 0 : i32
      %dma_wait3A_446 = arith.constant 0 : i32
      %dma_wait3A_447 = tpu.memref_slice %arg7[%dma_wait3A_444, %dma_wait3A_445, %dma_wait3A_446] : memref<4x128x128xf32, #tpu.memory_space<vmem>> -> memref<1x128x128xf32, #tpu.memory_space<vmem>>
      %dma_wait3A_448 = tpu.memref_squeeze %dma_wait3A_447 : memref<1x128x128xf32, #tpu.memory_space<vmem>> -> memref<128x128xf32, #tpu.memory_space<vmem>>
      %dma_wait3A_449 = arith.constant 0 : i32
      %dma_wait3A_450 = tpu.memref_slice %arg6[%dma_wait3A_443, %dma_wait3A_449] : memref<200x128xi32, #tpu.memory_space<vmem>> -> memref<1x128xi32, #tpu.memory_space<vmem>>
      %dma_wait3A_451 = tpu.memref_squeeze %dma_wait3A_450 : memref<1x128xi32, #tpu.memory_space<vmem>> -> memref<128xi32, #tpu.memory_space<vmem>>
      %dma_wait3A_452 = arith.constant 0 : i32
      %dma_wait3A_453 = arith.constant 0 : i32
      %dma_wait3A_454 = tpu.memref_slice %arg5[%dma_wait3A_452, %dma_wait3A_453] : memref<1002x128xf32, #tpu.memory_space<vmem_shared>> -> memref<1002x128xf32, #tpu.memory_space<vmem_shared>>
      tpu.wait_indirect_dma semaphore(%arg8 : memref<!tpu.dma_semaphore, #tpu.memory_space<semaphore_mem>>) src(%dma_wait3A_454 : memref<1002x128xf32, #tpu.memory_space<vmem_shared>>) dst(%dma_wait3A_448 : memref<128x128xf32, #tpu.memory_space<vmem>>)
      %mul3A_455 = arith.constant 128 : i32
      %mul3A_456 = arith.muli %add3A_411, %mul3A_455 : i32
      %add3A_457 = arith.addi %mul3A_2, %mul3A_456 : i32
      %dma_start3A_458 = arith.constant 1 : i32
      %dma_start3A_459 = arith.constant 0 : i32
      %dma_start3A_460 = arith.constant 0 : i32
      %dma_start3A_461 = tpu.memref_slice %arg7[%dma_start3A_458, %dma_start3A_459, %dma_start3A_460] : memref<4x128x128xf32, #tpu.memory_space<vmem>> -> memref<1x128x128xf32, #tpu.memory_space<vmem>>
      %dma_start3A_462 = tpu.memref_squeeze %dma_start3A_461 : memref<1x128x128xf32, #tpu.memory_space<vmem>> -> memref<128x128xf32, #tpu.memory_space<vmem>>
      %dma_start3A_463 = arith.constant 0 : i32
      %dma_start3A_464 = tpu.memref_slice %arg4[%add3A_457, %dma_start3A_463] : memref<819200x128xf32, #tpu.memory_space<hbm>> -> memref<128x128xf32, #tpu.memory_space<hbm>>
      %dma_start3A_465 = arith.constant 0 : i32
      %dma_start3A_466 = tpu.memref_slice %arg4[%add3A_457, %dma_start3A_465] : memref<819200x128xf32, #tpu.memory_space<hbm>> -> memref<128x128xf32, #tpu.memory_space<hbm>>
      %dma_start3A_467 = arith.constant 0 : i32
      %dma_start3A_468 = arith.constant 0 : i32
      %dma_start3A_469 = tpu.memref_slice %arg7[%dma_start3A_458, %dma_start3A_467, %dma_start3A_468] : memref<4x128x128xf32, #tpu.memory_space<vmem>> -> memref<1x128x128xf32, #tpu.memory_space<vmem>>
      %dma_start3A_470 = tpu.memref_squeeze %dma_start3A_469 : memref<1x128x128xf32, #tpu.memory_space<vmem>> -> memref<128x128xf32, #tpu.memory_space<vmem>>
      tpu.enqueue_dma source(%dma_start3A_470 : memref<128x128xf32, #tpu.memory_space<vmem>>) target(%dma_start3A_466 : memref<128x128xf32, #tpu.memory_space<hbm>>) target_semaphore(%arg9 : memref<!tpu.dma_semaphore, #tpu.memory_space<semaphore_mem>>)
    }
    %scan3A_108 = arith.constant 49 : i32
    %add3A_109 = arith.constant 25088 : i32
    %add3A_110 = arith.addi %mul3A_2, %add3A_109 : i32
    %dma_wait3A_111 = arith.constant 0 : i32
    %dma_wait3A_112 = arith.constant 0 : i32
    %dma_wait3A_113 = arith.constant 0 : i32
    %dma_wait3A_114 = tpu.memref_slice %arg7[%dma_wait3A_111, %dma_wait3A_112, %dma_wait3A_113] : memref<4x128x128xf32, #tpu.memory_space<vmem>> -> memref<1x128x128xf32, #tpu.memory_space<vmem>>
    %dma_wait3A_115 = tpu.memref_squeeze %dma_wait3A_114 : memref<1x128x128xf32, #tpu.memory_space<vmem>> -> memref<128x128xf32, #tpu.memory_space<vmem>>
    %dma_wait3A_116 = arith.constant 0 : i32
    %dma_wait3A_117 = tpu.memref_slice %arg4[%add3A_110, %dma_wait3A_116] : memref<819200x128xf32, #tpu.memory_space<hbm>> -> memref<128x128xf32, #tpu.memory_space<hbm>>
    %dma_wait3A_118 = arith.constant 0 : i32
    %dma_wait3A_119 = tpu.memref_slice %arg4[%add3A_110, %dma_wait3A_118] : memref<819200x128xf32, #tpu.memory_space<hbm>> -> memref<128x128xf32, #tpu.memory_space<hbm>>
    %dma_wait3A_120 = arith.constant 0 : i32
    %dma_wait3A_121 = arith.constant 0 : i32
    %dma_wait3A_122 = tpu.memref_slice %arg7[%dma_wait3A_111, %dma_wait3A_120, %dma_wait3A_121] : memref<4x128x128xf32, #tpu.memory_space<vmem>> -> memref<1x128x128xf32, #tpu.memory_space<vmem>>
    %dma_wait3A_123 = tpu.memref_squeeze %dma_wait3A_122 : memref<1x128x128xf32, #tpu.memory_space<vmem>> -> memref<128x128xf32, #tpu.memory_space<vmem>>
    tpu.wait_dma2 semaphore(%arg9 : memref<!tpu.dma_semaphore, #tpu.memory_space<semaphore_mem>>) src(%dma_wait3A_123 : memref<128x128xf32, #tpu.memory_space<vmem>>) dst(%dma_wait3A_119 : memref<128x128xf32, #tpu.memory_space<hbm>>)
    %dma_wait3A_124 = arith.constant 0 : i32
    %dma_wait3A_125 = arith.constant 2 : i32
    %dma_wait3A_126 = arith.constant 0 : i32
    %dma_wait3A_127 = arith.constant 0 : i32
    %dma_wait3A_128 = tpu.memref_slice %arg7[%dma_wait3A_125, %dma_wait3A_126, %dma_wait3A_127] : memref<4x128x128xf32, #tpu.memory_space<vmem>> -> memref<1x128x128xf32, #tpu.memory_space<vmem>>
    %dma_wait3A_129 = tpu.memref_squeeze %dma_wait3A_128 : memref<1x128x128xf32, #tpu.memory_space<vmem>> -> memref<128x128xf32, #tpu.memory_space<vmem>>
    %dma_wait3A_130 = arith.constant 0 : i32
    %dma_wait3A_131 = tpu.memref_slice %arg6[%dma_wait3A_124, %dma_wait3A_130] : memref<200x128xi32, #tpu.memory_space<vmem>> -> memref<1x128xi32, #tpu.memory_space<vmem>>
    %dma_wait3A_132 = tpu.memref_squeeze %dma_wait3A_131 : memref<1x128xi32, #tpu.memory_space<vmem>> -> memref<128xi32, #tpu.memory_space<vmem>>
    %dma_wait3A_133 = arith.constant 0 : i32
    %dma_wait3A_134 = arith.constant 0 : i32
    %dma_wait3A_135 = tpu.memref_slice %arg5[%dma_wait3A_133, %dma_wait3A_134] : memref<1002x128xf32, #tpu.memory_space<vmem_shared>> -> memref<1002x128xf32, #tpu.memory_space<vmem_shared>>
    tpu.wait_indirect_dma semaphore(%arg8 : memref<!tpu.dma_semaphore, #tpu.memory_space<semaphore_mem>>) src(%dma_wait3A_135 : memref<1002x128xf32, #tpu.memory_space<vmem_shared>>) dst(%dma_wait3A_129 : memref<128x128xf32, #tpu.memory_space<vmem>>)
    %add3A_136 = arith.constant 25344 : i32
    %add3A_137 = arith.addi %mul3A_2, %add3A_136 : i32
    %dma_start3A_138 = arith.constant 2 : i32
    %dma_start3A_139 = arith.constant 0 : i32
    %dma_start3A_140 = arith.constant 0 : i32
    %dma_start3A_141 = tpu.memref_slice %arg7[%dma_start3A_138, %dma_start3A_139, %dma_start3A_140] : memref<4x128x128xf32, #tpu.memory_space<vmem>> -> memref<1x128x128xf32, #tpu.memory_space<vmem>>
    %dma_start3A_142 = tpu.memref_squeeze %dma_start3A_141 : memref<1x128x128xf32, #tpu.memory_space<vmem>> -> memref<128x128xf32, #tpu.memory_space<vmem>>
    %dma_start3A_143 = arith.constant 0 : i32
    %dma_start3A_144 = tpu.memref_slice %arg4[%add3A_137, %dma_start3A_143] : memref<819200x128xf32, #tpu.memory_space<hbm>> -> memref<128x128xf32, #tpu.memory_space<hbm>>
    %dma_start3A_145 = arith.constant 0 : i32
    %dma_start3A_146 = tpu.memref_slice %arg4[%add3A_137, %dma_start3A_145] : memref<819200x128xf32, #tpu.memory_space<hbm>> -> memref<128x128xf32, #tpu.memory_space<hbm>>
    %dma_start3A_147 = arith.constant 0 : i32
    %dma_start3A_148 = arith.constant 0 : i32
    %dma_start3A_149 = tpu.memref_slice %arg7[%dma_start3A_138, %dma_start3A_147, %dma_start3A_148] : memref<4x128x128xf32, #tpu.memory_space<vmem>> -> memref<1x128x128xf32, #tpu.memory_space<vmem>>
    %dma_start3A_150 = tpu.memref_squeeze %dma_start3A_149 : memref<1x128x128xf32, #tpu.memory_space<vmem>> -> memref<128x128xf32, #tpu.memory_space<vmem>>
    tpu.enqueue_dma source(%dma_start3A_150 : memref<128x128xf32, #tpu.memory_space<vmem>>) target(%dma_start3A_146 : memref<128x128xf32, #tpu.memory_space<hbm>>) target_semaphore(%arg9 : memref<!tpu.dma_semaphore, #tpu.memory_space<semaphore_mem>>)
    %add3A_151 = arith.constant 25216 : i32
    %add3A_152 = arith.addi %mul3A_2, %add3A_151 : i32
    %dma_wait3A_153 = arith.constant 1 : i32
    %dma_wait3A_154 = arith.constant 0 : i32
    %dma_wait3A_155 = arith.constant 0 : i32
    %dma_wait3A_156 = tpu.memref_slice %arg7[%dma_wait3A_153, %dma_wait3A_154, %dma_wait3A_155] : memref<4x128x128xf32, #tpu.memory_space<vmem>> -> memref<1x128x128xf32, #tpu.memory_space<vmem>>
    %dma_wait3A_157 = tpu.memref_squeeze %dma_wait3A_156 : memref<1x128x128xf32, #tpu.memory_space<vmem>> -> memref<128x128xf32, #tpu.memory_space<vmem>>
    %dma_wait3A_158 = arith.constant 0 : i32
    %dma_wait3A_159 = tpu.memref_slice %arg4[%add3A_152, %dma_wait3A_158] : memref<819200x128xf32, #tpu.memory_space<hbm>> -> memref<128x128xf32, #tpu.memory_space<hbm>>
    %dma_wait3A_160 = arith.constant 0 : i32
    %dma_wait3A_161 = tpu.memref_slice %arg4[%add3A_152, %dma_wait3A_160] : memref<819200x128xf32, #tpu.memory_space<hbm>> -> memref<128x128xf32, #tpu.memory_space<hbm>>
    %dma_wait3A_162 = arith.constant 0 : i32
    %dma_wait3A_163 = arith.constant 0 : i32
    %dma_wait3A_164 = tpu.memref_slice %arg7[%dma_wait3A_153, %dma_wait3A_162, %dma_wait3A_163] : memref<4x128x128xf32, #tpu.memory_space<vmem>> -> memref<1x128x128xf32, #tpu.memory_space<vmem>>
    %dma_wait3A_165 = tpu.memref_squeeze %dma_wait3A_164 : memref<1x128x128xf32, #tpu.memory_space<vmem>> -> memref<128x128xf32, #tpu.memory_space<vmem>>
    tpu.wait_dma2 semaphore(%arg9 : memref<!tpu.dma_semaphore, #tpu.memory_space<semaphore_mem>>) src(%dma_wait3A_165 : memref<128x128xf32, #tpu.memory_space<vmem>>) dst(%dma_wait3A_161 : memref<128x128xf32, #tpu.memory_space<hbm>>)
    %dma_wait3A_166 = arith.constant 0 : i32
    %dma_wait3A_167 = arith.constant 3 : i32
    %dma_wait3A_168 = arith.constant 0 : i32
    %dma_wait3A_169 = arith.constant 0 : i32
    %dma_wait3A_170 = tpu.memref_slice %arg7[%dma_wait3A_167, %dma_wait3A_168, %dma_wait3A_169] : memref<4x128x128xf32, #tpu.memory_space<vmem>> -> memref<1x128x128xf32, #tpu.memory_space<vmem>>
    %dma_wait3A_171 = tpu.memref_squeeze %dma_wait3A_170 : memref<1x128x128xf32, #tpu.memory_space<vmem>> -> memref<128x128xf32, #tpu.memory_space<vmem>>
    %dma_wait3A_172 = arith.constant 0 : i32
    %dma_wait3A_173 = tpu.memref_slice %arg6[%dma_wait3A_166, %dma_wait3A_172] : memref<200x128xi32, #tpu.memory_space<vmem>> -> memref<1x128xi32, #tpu.memory_space<vmem>>
    %dma_wait3A_174 = tpu.memref_squeeze %dma_wait3A_173 : memref<1x128xi32, #tpu.memory_space<vmem>> -> memref<128xi32, #tpu.memory_space<vmem>>
    %dma_wait3A_175 = arith.constant 0 : i32
    %dma_wait3A_176 = arith.constant 0 : i32
    %dma_wait3A_177 = tpu.memref_slice %arg5[%dma_wait3A_175, %dma_wait3A_176] : memref<1002x128xf32, #tpu.memory_space<vmem_shared>> -> memref<1002x128xf32, #tpu.memory_space<vmem_shared>>
    tpu.wait_indirect_dma semaphore(%arg8 : memref<!tpu.dma_semaphore, #tpu.memory_space<semaphore_mem>>) src(%dma_wait3A_177 : memref<1002x128xf32, #tpu.memory_space<vmem_shared>>) dst(%dma_wait3A_171 : memref<128x128xf32, #tpu.memory_space<vmem>>)
    %add3A_178 = arith.constant 25472 : i32
    %add3A_179 = arith.addi %mul3A_2, %add3A_178 : i32
    %dma_start3A_180 = arith.constant 3 : i32
    %dma_start3A_181 = arith.constant 0 : i32
    %dma_start3A_182 = arith.constant 0 : i32
    %dma_start3A_183 = tpu.memref_slice %arg7[%dma_start3A_180, %dma_start3A_181, %dma_start3A_182] : memref<4x128x128xf32, #tpu.memory_space<vmem>> -> memref<1x128x128xf32, #tpu.memory_space<vmem>>
    %dma_start3A_184 = tpu.memref_squeeze %dma_start3A_183 : memref<1x128x128xf32, #tpu.memory_space<vmem>> -> memref<128x128xf32, #tpu.memory_space<vmem>>
    %dma_start3A_185 = arith.constant 0 : i32
    %dma_start3A_186 = tpu.memref_slice %arg4[%add3A_179, %dma_start3A_185] : memref<819200x128xf32, #tpu.memory_space<hbm>> -> memref<128x128xf32, #tpu.memory_space<hbm>>
    %dma_start3A_187 = arith.constant 0 : i32
    %dma_start3A_188 = tpu.memref_slice %arg4[%add3A_179, %dma_start3A_187] : memref<819200x128xf32, #tpu.memory_space<hbm>> -> memref<128x128xf32, #tpu.memory_space<hbm>>
    %dma_start3A_189 = arith.constant 0 : i32
    %dma_start3A_190 = arith.constant 0 : i32
    %dma_start3A_191 = tpu.memref_slice %arg7[%dma_start3A_180, %dma_start3A_189, %dma_start3A_190] : memref<4x128x128xf32, #tpu.memory_space<vmem>> -> memref<1x128x128xf32, #tpu.memory_space<vmem>>
    %dma_start3A_192 = tpu.memref_squeeze %dma_start3A_191 : memref<1x128x128xf32, #tpu.memory_space<vmem>> -> memref<128x128xf32, #tpu.memory_space<vmem>>
    tpu.enqueue_dma source(%dma_start3A_192 : memref<128x128xf32, #tpu.memory_space<vmem>>) target(%dma_start3A_188 : memref<128x128xf32, #tpu.memory_space<hbm>>) target_semaphore(%arg9 : memref<!tpu.dma_semaphore, #tpu.memory_space<semaphore_mem>>)
    %add3A_193 = arith.constant 25344 : i32
    %add3A_194 = arith.addi %mul3A_2, %add3A_193 : i32
    %dma_wait3A_195 = arith.constant 2 : i32
    %dma_wait3A_196 = arith.constant 0 : i32
    %dma_wait3A_197 = arith.constant 0 : i32
    %dma_wait3A_198 = tpu.memref_slice %arg7[%dma_wait3A_195, %dma_wait3A_196, %dma_wait3A_197] : memref<4x128x128xf32, #tpu.memory_space<vmem>> -> memref<1x128x128xf32, #tpu.memory_space<vmem>>
    %dma_wait3A_199 = tpu.memref_squeeze %dma_wait3A_198 : memref<1x128x128xf32, #tpu.memory_space<vmem>> -> memref<128x128xf32, #tpu.memory_space<vmem>>
    %dma_wait3A_200 = arith.constant 0 : i32
    %dma_wait3A_201 = tpu.memref_slice %arg4[%add3A_194, %dma_wait3A_200] : memref<819200x128xf32, #tpu.memory_space<hbm>> -> memref<128x128xf32, #tpu.memory_space<hbm>>
    %dma_wait3A_202 = arith.constant 0 : i32
    %dma_wait3A_203 = tpu.memref_slice %arg4[%add3A_194, %dma_wait3A_202] : memref<819200x128xf32, #tpu.memory_space<hbm>> -> memref<128x128xf32, #tpu.memory_space<hbm>>
    %dma_wait3A_204 = arith.constant 0 : i32
    %dma_wait3A_205 = arith.constant 0 : i32
    %dma_wait3A_206 = tpu.memref_slice %arg7[%dma_wait3A_195, %dma_wait3A_204, %dma_wait3A_205] : memref<4x128x128xf32, #tpu.memory_space<vmem>> -> memref<1x128x128xf32, #tpu.memory_space<vmem>>
    %dma_wait3A_207 = tpu.memref_squeeze %dma_wait3A_206 : memref<1x128x128xf32, #tpu.memory_space<vmem>> -> memref<128x128xf32, #tpu.memory_space<vmem>>
    tpu.wait_dma2 semaphore(%arg9 : memref<!tpu.dma_semaphore, #tpu.memory_space<semaphore_mem>>) src(%dma_wait3A_207 : memref<128x128xf32, #tpu.memory_space<vmem>>) dst(%dma_wait3A_203 : memref<128x128xf32, #tpu.memory_space<hbm>>)
    %add3A_208 = arith.constant 25472 : i32
    %add3A_209 = arith.addi %mul3A_2, %add3A_208 : i32
    %dma_wait3A_210 = arith.constant 3 : i32
    %dma_wait3A_211 = arith.constant 0 : i32
    %dma_wait3A_212 = arith.constant 0 : i32
    %dma_wait3A_213 = tpu.memref_slice %arg7[%dma_wait3A_210, %dma_wait3A_211, %dma_wait3A_212] : memref<4x128x128xf32, #tpu.memory_space<vmem>> -> memref<1x128x128xf32, #tpu.memory_space<vmem>>
    %dma_wait3A_214 = tpu.memref_squeeze %dma_wait3A_213 : memref<1x128x128xf32, #tpu.memory_space<vmem>> -> memref<128x128xf32, #tpu.memory_space<vmem>>
    %dma_wait3A_215 = arith.constant 0 : i32
    %dma_wait3A_216 = tpu.memref_slice %arg4[%add3A_209, %dma_wait3A_215] : memref<819200x128xf32, #tpu.memory_space<hbm>> -> memref<128x128xf32, #tpu.memory_space<hbm>>
    %dma_wait3A_217 = arith.constant 0 : i32
    %dma_wait3A_218 = tpu.memref_slice %arg4[%add3A_209, %dma_wait3A_217] : memref<819200x128xf32, #tpu.memory_space<hbm>> -> memref<128x128xf32, #tpu.memory_space<hbm>>
    %dma_wait3A_219 = arith.constant 0 : i32
    %dma_wait3A_220 = arith.constant 0 : i32
    %dma_wait3A_221 = tpu.memref_slice %arg7[%dma_wait3A_210, %dma_wait3A_219, %dma_wait3A_220] : memref<4x128x128xf32, #tpu.memory_space<vmem>> -> memref<1x128x128xf32, #tpu.memory_space<vmem>>
    %dma_wait3A_222 = tpu.memref_squeeze %dma_wait3A_221 : memref<1x128x128xf32, #tpu.memory_space<vmem>> -> memref<128x128xf32, #tpu.memory_space<vmem>>
    tpu.wait_dma2 semaphore(%arg9 : memref<!tpu.dma_semaphore, #tpu.memory_space<semaphore_mem>>) src(%dma_wait3A_222 : memref<128x128xf32, #tpu.memory_space<vmem>>) dst(%dma_wait3A_218 : memref<128x128xf32, #tpu.memory_space<hbm>>)
    return
  }
}

</mosaic_0001>

<sc_bundles>
// kernel: kernel.3.cloned.1.call-start
scs
__scs_entry_jumppad:
0x0: {  	(pc) =	sbr.rel $0x88, $3  }
0x1: {  	(tag) =	ssettag $0x0;
	lr =	simm.s32 $0x1  }
0x2: {  	[smem:$0x3F9F] =	sst lr;
	_ =	strace $0xD0000000  }
0x3: {  	_ = 	snop  }
0x4: {  	_ = 	snop  }
0x5: {  	_ = 	snop  }
0x6: {  	_ = 	snop  }
0x7: {  	_ = 	snop  }
__scs_overlays_trampoline_lowered:
0x8: {  	[smem:$0x3FAE] =	sst s0  }
0x9: {  	[smem:$0x3FAF] =	sst s1  }
0xa: {  	[smem:$0x3FB0] =	sst s2  }
0xb: {  	[smem:$0x3FB1] =	sst s3  }
0xc: {  	[smem:$0x3FB2] =	sst s4  }
0xd: {  	[smem:$0x3FB3] =	sst s5  }
0xe: {  	[smem:$0x3FB4] =	sst s6  }
0xf: {  	[smem:$0x3FB5] =	sst s7  }
0x10: {  	[smem:$0x3FB6] =	sst s8  }
0x11: {  	[smem:$0x3FB7] =	sst s9;
	s0 =	simm.s32 @!p0 $0x0  }
0x12: {  	s1 =	sld [smem:$0x3F9D];
	s0 =	simm.s32 @p0 $0x1  }
0x13: {  	[smem:$0x3FB8] =	sst s0;
	s0 =	simm.s32 @!p1 $0x0  }
0x14: {  	s2 =	sld [smem:$0x3F9C];
	s0 =	simm.s32 @p1 $0x1  }
0x15: {  	[smem:$0x3FB9] =	sst s0;
	s0 =	simm.s32 @!p2 $0x0  }
0x16: {  	s3 =	sld [smem:$0x3FDB];
	s0 =	simm.s32 @p2 $0x1  }
0x17: {  	s4 =	simm.s32 $0x1BF5;
	[smem:$0x3FBB] =	sst s0  }
0x18: {  	s0 =	sld [smem:$0x3F9E];
	_ =	swait.ge [sflag:s4], $0x0  }
0x19: {  	s7 =	sld [smem:$0x3F9F]  }
0x1a: {  	s8 =	sadd.s32 $0xFFFFE003, lr  }
0x1b: {  	s9 =	sadd.s32 $0xFFFFFEF7, lr;
	s5 =	simm.s32 $0xFFFFFFFF;
	p2 =	slt.u32 s8, $0xFFFFF086  }
0x1c: {  	p1 =	slt.u32 s9, $0xF7A;
	s5 =	simm.s32 @!p2 $0x0  }
0x1d: {  	s5 =	simm.s32 @p1 $0x1;
	p0 =	seq.s32 s7, s2  }
0x1e: {  	s7 =	smul.u32 @!p0 $0xF7A, s2;
	p2 =	seq.s32 @!p0 s5, $0x0  }
0x1f: {  	s9 =	smul.u32 $0xF7A, s1;
	s8 =	simm.s32 @!p0 $0x1BF5;
	p2 =	por !p2, p0  }
0x20: {  	[sflag:s8] =	ssyncset.s32 @!p0 $0xFFFFF086;
	s6 =	sadd.s32 @!p0 s3, s7;
	s7 =	simm.s32 @!p0 $0x108  }
0x21: {  	s3 =	sadd.s32 s3, s9;
	s6 =	sadd.s32 @!p0 $0x88, s6;
	s7 =	simm.s32 @p2 $0x1082  }
0x22: {  	[simem:s7], [sflag:s8] =	dma.local @!p0 [hbm:s6], $0xF7A  }
0x23: {  	s9 =	sor.u32 $0xD0000000, s2;
	s6 =	simm.s32 $0x108;
	_ =	swait.ge @!p0 [sflag:s8], $0x0  }
0x24: {  	s3 =	sadd.s32 $0x88, s3;
	s6 =	simm.s32 @!p1 $0x1082;
	[sflag:s4] =	ssyncset.s32 $0xFFFFF086  }
0x25: {  	[simem:s6], [sflag:s4] =	dma.local [hbm:s3], $0xF7A  }
0x26: {  	[smem:$0x3F9F] =	sst s1;
	(tag) =	ssettag s2;
	_ =	strace s9  }
0x27: {  	s1 =	sld [smem:$0x3FAF]  }
0x28: {  	s2 =	sld [smem:$0x3FB0]  }
0x29: {  	s4 =	sld [smem:$0x3FB2]  }
0x2a: {  	p0 =	seq.s32 s5, $0x0;
	s5 =	sld [smem:$0x3FB3]  }
0x2b: {  	s6 =	sld [smem:$0x3FB4]  }
0x2c: {  	s7 =	sld [smem:$0x3FB5]  }
0x2d: {  	s3 =	simm.s32 $0x108;
	s8 =	sld [smem:$0x3FB6]  }
0x2e: {  	s3 =	simm.s32 @!p0 $0x1082;
	s9 =	sld [smem:$0x3FB7]  }
0x2f: {  	lr =	sadd.s32 s0, s3;
	s0 =	sld [smem:$0x3FAE]  }
0x30: {  	s3 =	sld [smem:$0x3FB1]  }
0x31: {  	[smem:$0x3FBA] =	sst s10  }
0x32: {  	s10 =	sld [smem:$0x3FB8];
	_ =	sdelay $0x3  }
0x33: {  	p0 =	seq.s32 s10, $0x1;
	s10 =	sld [smem:$0x3FBA];
	_ =	sdelay $0x3  }
0x34: {  	[smem:$0x3FBA] =	sst s10  }
0x35: {  	s10 =	sld [smem:$0x3FB9];
	_ =	sdelay $0x3  }
0x36: {  	p1 =	seq.s32 s10, $0x1;
	s10 =	sld [smem:$0x3FBA];
	_ =	sdelay $0x3  }
0x37: {  	[smem:$0x3FBA] =	sst s10  }
0x38: {  	s10 =	sld [smem:$0x3FBB]  }
0x39: {  	_ = 	snop;
	(pc) =	sbr.ind lr, $3  }
0x3a: {  	_ = 	snop  }
0x3b: {  	_ = 	snop  }
0x3c: {  	p2 =	seq.s32 s10, $0x1;
	s10 =	sld [smem:$0x3FBA]  }
0x3d: {  	_ =	shalt  }
0x3e: {  	_ =	shalt  }
0x3f: {  	_ =	shalt  }
0x40: {  	_ =	shalt  }
0x41: {  	_ =	shalt  }
0x42: {  	_ =	shalt  }
0x43: {  	_ =	shalt  }
0x44: {  	_ =	shalt  }
0x45: {  	_ =	shalt  }
0x46: {  	_ =	shalt  }
0x47: {  	_ =	shalt  }
0x48: {  	_ =	shalt  }
0x49: {  	_ =	shalt  }
0x4a: {  	_ =	shalt  }
0x4b: {  	_ =	shalt  }
0x4c: {  	_ =	shalt  }
0x4d: {  	_ =	shalt  }
0x4e: {  	_ =	shalt  }
0x4f: {  	_ =	shalt  }
0x50: {  	_ =	shalt  }
0x51: {  	_ =	shalt  }
0x52: {  	_ =	shalt  }
0x53: {  	_ =	shalt  }
0x54: {  	_ =	shalt  }
0x55: {  	_ =	shalt  }
0x56: {  	_ =	shalt  }
0x57: {  	_ =	shalt  }
0x58: {  	_ =	shalt  }
0x59: {  	_ =	shalt  }
0x5a: {  	_ =	shalt  }
0x5b: {  	_ =	shalt  }
0x5c: {  	_ =	shalt  }
0x5d: {  	_ =	shalt  }
0x5e: {  	_ =	shalt  }
0x5f: {  	_ =	shalt  }
0x60: {  	_ =	shalt  }
0x61: {  	_ =	shalt  }
0x62: {  	_ =	shalt  }
0x63: {  	_ =	shalt  }
0x64: {  	_ =	shalt  }
0x65: {  	_ =	shalt  }
0x66: {  	_ =	shalt  }
0x67: {  	_ =	shalt  }
0x68: {  	_ =	shalt  }
0x69: {  	_ =	shalt  }
0x6a: {  	_ =	shalt  }
0x6b: {  	_ =	shalt  }
0x6c: {  	_ =	shalt  }
0x6d: {  	_ =	shalt  }
0x6e: {  	_ =	shalt  }
0x6f: {  	_ =	shalt  }
0x70: {  	_ =	shalt  }
0x71: {  	_ =	shalt  }
0x72: {  	_ =	shalt  }
0x73: {  	_ =	shalt  }
0x74: {  	_ =	shalt  }
0x75: {  	_ =	shalt  }
0x76: {  	_ =	shalt  }
0x77: {  	_ =	shalt  }
0x78: {  	_ =	shalt  }
0x79: {  	_ =	shalt  }
0x7a: {  	_ =	shalt  }
0x7b: {  	_ =	shalt  }
0x7c: {  	_ =	shalt  }
0x7d: {  	_ =	shalt  }
0x7e: {  	_ =	shalt  }
0x7f: {  	_ =	shalt  }
0x80: {  	_ =	shalt  }
0x81: {  	_ =	shalt  }
0x82: {  	_ =	shalt  }
0x83: {  	_ =	shalt  }
0x84: {  	_ =	shalt  }
0x85: {  	_ =	shalt  }
0x86: {  	_ =	shalt  }
0x87: {  	_ =	shalt  }
.Lfunc_end0:
.L_simem_size_0:
called_computation_lowered:
.L_overlay_start_0:
0x88: {  	s2 =	sld [smem:$0x3FD9]  }
0x89: {  	s3 =	sld [smem:$0x3FFE];
	_ =	sdelay $0x1  }
0x8a: {  	s1 =	srdreg.scid  }
0x8b: {  	s0 =	sand.u32 $0x1, s1  }
0x8c: {  	s17 =	sshll.u32 s0, $0xA;
	s2 =	sadd.s32 s3, s2  }
0x8d: {  	s2 =	sadd.s32 s2, s17  }
0x8e: {  	[smem:$0x3FC6] =	sst s2  }
0x8f: {  	_ = 	snop  }
0x90: {  	s2 =	sld [smem:$0x3FC8]  }
0x91: {  	s18 =	sld [smem:$0x3FD0];
	(tm) =	ssettm $0x1  }
0x92: {  	s4 =	sld [smem:$0x3FFB];
	_ =	sdelay $0x3  }
0x93: {  	_ =	strace s4  }
0x94: {  	s4 =	sld [smem:$0x3FFC];
	_ =	sdelay $0x3  }
0x95: {  	_ =	strace s4  }
0x96: {  	s4 =	sld [smem:$0x3FFD];
	_ =	sdelay $0x3  }
0x97: {  	_ =	strace s4  }
0x98: {  	_ =	strace $0x8FFFFFFF  }
0x99: {  	s19 =	sld [smem:$0x3FDB];
	_ =	sdelay $0x1  }
0x9a: {  	s5 =	simm.s32 $_scs_section_size  }
0x9b: {  	s6 =	simm.s32 $_size__tile_overlayer_lowered;
	s7 =	simm.s32 $_tile_overlayer_lowered  }
0x9c: {  	s22 =	simm.s32 $0x1BFF;
	s21 =	sshll.u32 s7, $0x1;
	s4 =	sadd.s32 s5, s19  }
0x9d: {  	s8 =	simm.s32 $0x0;
	s20 =	sshll.u32 s6, $0x1;
	s6 =	sadd.s32 s21, s4  }
0x9e: {  	[timem:s8], [sflag:s22] =	dma.local [hbm:s6], s20  }
0x9f: {  	_ =	swait.ge [sflag:s22], s20  }
0xa0: {  	s5 =	ssub.s32 $0x0, s20;
	[sflag:s22] =	ssyncset.done $0x0  }
0xa1: {  	[sflag:s22] =	ssyncadd.s32 s5;
	_ =	sdelay $0x1  }
0xa2: {  	s23 =	simm.s32 $0x1B8B  }
0xa3: {  	_ =	swait.ge [sflag:s23], $0x1  }
0xa4: {  	[sflag:s23] =	ssyncset.done $0x0  }
0xa5: {  	s25 =	simm.s32 $0x1B8E;
	s24 =	sld [smem:$0x3FFE];
	[sflag:s23] =	ssyncadd.s32 $0xFFFFFFFF  }
0xa6: {  	s26 =	simm.s32 $execute0_lowered;
	[smem:$0x3FD2] =	sst s25  }
0xa7: {  	s6 =	sshll.u32 s26, $0x1;
	_ =	strace $0x80000046;
	[dreg:$0x1] =	wrdreg $0xFFFFFFFF  }
0xa8: {  	s28 =	simm.s32 $_size_execute0_lowered;
	s4 =	sadd.s32 s4, s6;
	[dreg:$0x0] =	wrdreg $0x0  }
0xa9: {  	s6 =	sshll.u32 s28, $0x1;
	[dreg:$0x2] =	wrdreg s4  }
0xaa: {  	[dreg:$0x3] =	wrdreg s6  }
0xab: {  	[dreg:$0x4] =	wrdreg $0xC0  }
0xac: {  	_ =	task [dreg:s8], $0x5FFFF  }
0xad: {  	[dreg:$0x1] =	wrdreg $0xFFFFFFFF  }
0xae: {  	[dreg:$0x0] =	wrdreg $0x60  }
0xaf: {  	[dreg:$0x2] =	wrdreg s24  }
0xb0: {  	[dreg:$0x3] =	wrdreg s2  }
0xb1: {  	[dreg:$0x4] =	wrdreg s18  }
0xb2: {  	[dreg:$0x5] =	wrdreg $0x0  }
0xb3: {  	[dreg:$0x6] =	wrdreg $0x9  }
0xb4: {  	_ =	task.clear_ibuf [dreg:s8], $0x7FFFF;
	_ =	strace $0x90000046  }
0xb5: {  	s29 =	simm.s32 $0x9;
	_ =	strace $0x80000048  }
0xb6: {  	_ =	swait.ge [sflag:s29], $0x1  }
0xb7: {  	[sflag:s29] =	ssyncadd.s32 $0xFFFFFFFF  }
0xb8: {  	_ =	strace $0x90000048  }
0xb9: {  	_ =	sfence  }
0xba: {  	s30 =	sld [smem:$0x0];
	_ =	sdelay $0x2  }
0xbb: {  	s31 =	sshll.u32 s1, $0xD;
	s1 =	sshrl.u32 s1, $0x2  }
0xbc: {  	s3 =	sand.u32 $0x4000, s31;
	s1 =	sadd.s32 s1, s30  }
0xbd: {  	s0 =	sor.u32 s3, s0;
	s1 =	sshll.u32 s1, $0x11  }
0xbe: {  	s0 =	sor.u32 s1, s0  }
0xbf: {  	s0 =	sadd.s32 $0x8F2B, s0  }
0xc0: {  	[sflag:s0] =	ssyncadd.remote.s32 $0x1  }
0xc1: {  	_ =	sfence.sel $0xFFFF  }
0xc2: {  	[dreg:$0x0] =	wrdreg $0xFFFFFFFF;
	(pc) =	sbr.abs _section_cstart, $3  }
0xc3: {  	[dreg:$0x1] =	wrdreg $0xFFFFFFFF  }
0xc4: {  	_ =	task.clear_ibuf [dreg:s8], $0x2FFFF;
	_ =	strace $0x9FFFFFFF  }
0xc5: {  	(tm) =	ssettm $0x7FFFFFFF  }
tec
execute0_lowered:
.L_overlay_start_1:
0x0: {  	(tag) =	ssettag $0x1  }
0x1: {  	s4 =	rddreg [dreg:$0x0]  }
0x2: {  	s0 =	rddreg [dreg:$0x1]  }
0x3: {  	s1 =	srdreg.scid;
	s9 =	rddreg [dreg:$0x2]  }
0x4: {  	s10 =	stileid.u32;
	s2 =	rddreg [dreg:$0x3];
	s3 =	simm.s32 $0x0  }
0x5: {  	s14 =	simm.s32 $0x80;
	s15 =	simm.s32 $0x8350;
	s16 =	simm.s32 $0x1FD0  }
0x6: {  	s17 =	simm.s32 $0xC350;
	s18 =	simm.s32 $0x2050;
	s19 =	simm.s32 $0x10350  }
0x7: {  	s20 =	simm.s32 $0x1;
	s21 =	simm.s32 $0x20D0;
	s22 =	simm.s32 $0x14350  }
0x8: {  	s23 =	simm.s32 $0x2;
	s7 =	sand.u32 $0x1, s1;
	s26 =	sshll.u32 s10, $0x1  }
0x9: {  	s1 =	rddreg [dreg:$0x4];
	s30 =	smul.u32 $0xC8000, s10;
	s5 =	sor.u32 s7, s26  }
0xa: {  	s24 =	simm.s32 $0x0;
	[smem:$0x7FF] =	sst s3;
	s6 =	smul.u32 $0x6400, s5  }
0xb: {  	p0 =	sne.s32 s10, $0x0;
	s8 =	ssub.s32 $0x2, s7;
	s11 =	smul.u32 $0x64000, s5  }
0xc: {  	_ =	strace $0x80000047;
	s28 =	sshrl.u32 s8, $0x1;
	s12 =	smul.u32 $0x320000, s5  }
0xd: {  	s31 =	smul.u32 $0x64000, s7;
	s13 =	ssub.s32 s8, s28;
	s6 =	sshrl.u32 s6, $0x3  }
0xe: {  	s5 =	sadd.s32 s9, s11;
	s29 =	sshrl.u32 s12, $0x3;
	s11 =	sadd.s32 s30, s9  }
0xf: {  	s12 =	simm.s32 $0x1F50;
	s4 =	sadd.s32 s6, s4;
	s6 =	sadd.s32 $0x800, s5  }
0x10: {  	s8 =	sadd.s32 s9, s29;
	s9 =	smax.u32 s13, $0x1;
	s11 =	sadd.s32 s31, s11  }
0x11: {  	s13 =	simm.s32 $0x3;
	s4 =	sadd.s32 $0x400, s4;
	s7 =	sadd.s32 $0x63000, s8  }
0x12: {  	s8 =	sadd.s32 $0x63800, s8;
	s10 =	sadd.s32 $0x1800, s11;
	s11 =	sshrl.u32 @!p0 s2, $0x3  }
.LBB2_1:
0x13: {  	s25 =	simm.s32 @!p0 $0x1C03  }
0x14: {  	[spmem:s11], [sflag:s25] =	dma.local @!p0 [hbm:s0], $0x3EA0  }
0x15: {  	s25 =	simm.s32 @!p0 $0x3  }
0x16: {  	_ =	swait.ge @!p0 [sflag:s25], $0x3EA0  }
0x17: {  	[sflag:s25] =	ssyncset.done @!p0 $0x0  }
0x18: {  	[sflag:s25] =	ssyncadd.s32 @!p0 $0xFFFFC160  }
0x19: {  	[tilespmem:s12], [sflag:$0x3] =	stream.linear.gather [hbm4b:s4+s3], $0x6400, $0x38;
	[tilespmem:$0x18350] =	vst v63  }
0x1a: {  	_ =	swait.ge [sflag:s13], $0x6400  }
0x1b: {  	[sflag:s13] =	ssyncset.done $0x0  }
0x1c: {  	[sflag:s13] =	ssyncadd.s32 $0xFFFF9C00  }
0x1d: {  	[bflag:$0x0] =	sbarrier.arrive $0xFFFF  }
0x1e: {  	[tilespmem:s15], [sflag:$0x1] =	stream.indirect.gather [spmem:s2], $0x80, s12, s14, $0xb8;
	[tilespmem:$0x18350] =	vst v63  }
0x1f: {  	_ = 	snop  }
0x20: {  	[tilespmem:s17], [sflag:$0x1] =	stream.indirect.gather [spmem:s2], $0x80, s16, s14, $0xb8;
	[tilespmem:$0x18350] =	vst v63  }
0x21: {  	_ = 	snop  }
0x22: {  	[tilespmem:s19], [sflag:$0x1] =	stream.indirect.gather [spmem:s2], $0x80, s18, s14, $0xb8;
	[tilespmem:$0x18350] =	vst v63  }
0x23: {  	_ =	swait.ge [sflag:s20], $0x4000  }
0x24: {  	[sflag:s20] =	ssyncset.done $0x0  }
0x25: {  	[sflag:s20] =	ssyncadd.s32 $0xFFFFC000  }
0x26: {  	[hbm4b:s5+s3] =	stream.linear.scatter [tilespmem:s15], [sflag:$0x2], $0x4000, $0x38;
	[tilespmem:$0x18350] =	vst v63  }
0x27: {  	_ = 	snop  }
0x28: {  	[tilespmem:s22], [sflag:$0x1] =	stream.indirect.gather [spmem:s2], $0x80, s21, s14, $0xb8;
	[tilespmem:$0x18350] =	vst v63  }
0x29: {  	_ =	swait.ge [sflag:s20], $0x4000  }
0x2a: {  	[sflag:s20] =	ssyncset.done $0x0  }
0x2b: {  	[sflag:s20] =	ssyncadd.s32 $0xFFFFC000  }
0x2c: {  	[hbm4b:s6+s3] =	stream.linear.scatter [tilespmem:s17], [sflag:$0x2], $0x4000, $0x38;
	[tilespmem:$0x18350] =	vst v63  }
0x2d: {  	_ =	swait.ge [sflag:s23], $0x4000  }
0x2e: {  	[sflag:s23] =	ssyncset.done $0x0  }
0x2f: {  	s30 =	simm.s32 $0x2150;
	[sflag:s23] =	ssyncadd.s32 $0xFFFFC000  }
0x30: {  	[tilespmem:s15], [sflag:$0x1] =	stream.indirect.gather [spmem:s2], $0x80, s30, s14, $0xb8;
	[tilespmem:$0x18350] =	vst v63  }
0x31: {  	_ =	swait.ge [sflag:s20], $0x4000  }
0x32: {  	[sflag:s20] =	ssyncset.done $0x0  }
0x33: {  	s31 =	sadd.s32 $0xFFFFF800, s10;
	[sflag:s20] =	ssyncadd.s32 $0xFFFFC000  }
0x34: {  	[hbm4b:s31+s3] =	stream.linear.scatter [tilespmem:s19], [sflag:$0x2], $0x4000, $0x38;
	[tilespmem:$0x18350] =	vst v63  }
0x35: {  	_ =	swait.ge [sflag:s23], $0x4000  }
0x36: {  	[sflag:s23] =	ssyncset.done $0x0  }
0x37: {  	s26 =	simm.s32 $0x21D0;
	[sflag:s23] =	ssyncadd.s32 $0xFFFFC000  }
0x38: {  	[tilespmem:s17], [sflag:$0x1] =	stream.indirect.gather [spmem:s2], $0x80, s26, s14, $0xb8;
	[tilespmem:$0x18350] =	vst v63  }
0x39: {  	_ =	swait.ge [sflag:s20], $0x4000  }
0x3a: {  	[sflag:s20] =	ssyncset.done $0x0  }
0x3b: {  	[sflag:s20] =	ssyncadd.s32 $0xFFFFC000  }
0x3c: {  	[hbm4b:s10+s3] =	stream.linear.scatter [tilespmem:s22], [sflag:$0x2], $0x4000, $0x38;
	[tilespmem:$0x18350] =	vst v63  }
0x3d: {  	_ =	swait.ge [sflag:s23], $0x4000  }
0x3e: {  	[sflag:s23] =	ssyncset.done $0x0  }
0x3f: {  	s29 =	simm.s32 $0x2250;
	[sflag:s23] =	ssyncadd.s32 $0xFFFFC000  }
0x40: {  	[tilespmem:s19], [sflag:$0x1] =	stream.indirect.gather [spmem:s2], $0x80, s29, s14, $0xb8;
	[tilespmem:$0x18350] =	vst v63  }
0x41: {  	_ =	swait.ge [sflag:s20], $0x4000  }
0x42: {  	[sflag:s20] =	ssyncset.done $0x0  }
0x43: {  	s30 =	sadd.s32 $0x800, s10;
	[sflag:s20] =	ssyncadd.s32 $0xFFFFC000  }
0x44: {  	[hbm4b:s30+s3] =	stream.linear.scatter [tilespmem:s15], [sflag:$0x2], $0x4000, $0x38;
	[tilespmem:$0x18350] =	vst v63  }
0x45: {  	_ =	swait.ge [sflag:s23], $0x4000  }
0x46: {  	[sflag:s23] =	ssyncset.done $0x0  }
0x47: {  	s31 =	simm.s32 $0x22D0;
	[sflag:s23] =	ssyncadd.s32 $0xFFFFC000  }
0x48: {  	[tilespmem:s22], [sflag:$0x1] =	stream.indirect.gather [spmem:s2], $0x80, s31, s14, $0xb8;
	[tilespmem:$0x18350] =	vst v63  }
0x49: {  	_ =	swait.ge [sflag:s20], $0x4000  }
0x4a: {  	s28 =	sadd.s32 $0x1000, s10;
	[sflag:s20] =	ssyncset.done $0x0  }
0x4b: {  	s25 =	simm.s32 $0x800;
	s26 =	sadd.s32 $0x2000, s10;
	[sflag:s20] =	ssyncadd.s32 $0xFFFFC000  }
.LBB2_2:
0x4c: {  	[hbm4b:s28+s3] =	stream.linear.scatter [tilespmem:s17], [sflag:$0x2], $0x4000, $0x38;
	[tilespmem:$0x18350] =	vst v63  }
0x4d: {  	s28 =	smov.u32 s25  }
0x4e: {  	p1 =	sne.s32 s25, $0x18000;
	s25 =	sadd.s32 $0x800, s25;
	_ =	swait.ge [sflag:s23], $0x4000  }
0x4f: {  	s28 =	sshra.s32 s28, $0x2;
	[sflag:s23] =	ssyncset.done $0x0  }
0x50: {  	s29 =	sadd.s32 $0x2150, s28;
	[sflag:s23] =	ssyncadd.s32 $0xFFFFC000  }
0x51: {  	[tilespmem:s15], [sflag:$0x1] =	stream.indirect.gather [spmem:s2], $0x80, s29, s14, $0xb8;
	[tilespmem:$0x18350] =	vst v63  }
0x52: {  	_ =	swait.ge [sflag:s20], $0x4000  }
0x53: {  	[sflag:s20] =	ssyncset.done $0x0  }
0x54: {  	s29 =	sadd.s32 $0xFFFFF800, s26;
	[sflag:s20] =	ssyncadd.s32 $0xFFFFC000  }
0x55: {  	[hbm4b:s29+s3] =	stream.linear.scatter [tilespmem:s19], [sflag:$0x2], $0x4000, $0x38;
	[tilespmem:$0x18350] =	vst v63  }
0x56: {  	_ =	swait.ge [sflag:s23], $0x4000  }
0x57: {  	[sflag:s23] =	ssyncset.done $0x0  }
0x58: {  	s29 =	sadd.s32 $0x21D0, s28;
	[sflag:s23] =	ssyncadd.s32 $0xFFFFC000  }
0x59: {  	[tilespmem:s17], [sflag:$0x1] =	stream.indirect.gather [spmem:s2], $0x80, s29, s14, $0xb8;
	[tilespmem:$0x18350] =	vst v63  }
0x5a: {  	_ =	swait.ge [sflag:s20], $0x4000  }
0x5b: {  	[sflag:s20] =	ssyncset.done $0x0  }
0x5c: {  	[sflag:s20] =	ssyncadd.s32 $0xFFFFC000  }
0x5d: {  	[hbm4b:s26+s3] =	stream.linear.scatter [tilespmem:s22], [sflag:$0x2], $0x4000, $0x38;
	[tilespmem:$0x18350] =	vst v63  }
0x5e: {  	_ =	swait.ge [sflag:s23], $0x4000  }
0x5f: {  	[sflag:s23] =	ssyncset.done $0x0  }
0x60: {  	s29 =	sadd.s32 $0x2250, s28;
	[sflag:s23] =	ssyncadd.s32 $0xFFFFC000  }
0x61: {  	[tilespmem:s19], [sflag:$0x1] =	stream.indirect.gather [spmem:s2], $0x80, s29, s14, $0xb8;
	[tilespmem:$0x18350] =	vst v63  }
0x62: {  	_ =	swait.ge [sflag:s20], $0x4000  }
0x63: {  	[sflag:s20] =	ssyncset.done $0x0  }
0x64: {  	s29 =	sadd.s32 $0x800, s26;
	[sflag:s20] =	ssyncadd.s32 $0xFFFFC000  }
0x65: {  	[hbm4b:s29+s3] =	stream.linear.scatter [tilespmem:s15], [sflag:$0x2], $0x4000, $0x38;
	[tilespmem:$0x18350] =	vst v63  }
0x66: {  	_ =	swait.ge [sflag:s23], $0x4000  }
0x67: {  	[sflag:s23] =	ssyncset.done $0x0  }
.Ltmp0:
0x68: {  	s28 =	sadd.s32 $0x22D0, s28;
	[sflag:s23] =	ssyncadd.s32 $0xFFFFC000;
	(pc) =	sbr.rel @p1 .LBB2_2-.Ltmp0, $4  }
0x69: {  	[tilespmem:s22], [sflag:$0x1] =	stream.indirect.gather [spmem:s2], $0x80, s28, s14, $0xb8;
	[tilespmem:$0x18350] =	vst v63  }
0x6a: {  	_ =	swait.ge [sflag:s20], $0x4000  }
0x6b: {  	[sflag:s20] =	ssyncset.done $0x0  }
0x6c: {  	s28 =	sadd.s32 $0x1000, s26;
	s26 =	sadd.s32 $0x2000, s26;
	[sflag:s20] =	ssyncadd.s32 $0xFFFFC000  }
0x6d: {  	[hbm4b:s28+s3] =	stream.linear.scatter [tilespmem:s17], [sflag:$0x2], $0x4000, $0x38;
	[tilespmem:$0x18350] =	vst v63  }
0x6e: {  	_ =	swait.ge [sflag:s23], $0x4000  }
0x6f: {  	[sflag:s23] =	ssyncset.done $0x0  }
0x70: {  	[sflag:s23] =	ssyncadd.s32 $0xFFFFC000  }
0x71: {  	_ =	swait.ge [sflag:s20], $0x4000  }
0x72: {  	[sflag:s20] =	ssyncset.done $0x0  }
0x73: {  	[sflag:s20] =	ssyncadd.s32 $0xFFFFC000  }
0x74: {  	[hbm4b:s7+s3] =	stream.linear.scatter [tilespmem:s19], [sflag:$0x2], $0x4000, $0x38;
	[tilespmem:$0x18350] =	vst v63  }
0x75: {  	_ =	swait.ge [sflag:s23], $0x4000  }
0x76: {  	[sflag:s23] =	ssyncset.done $0x0  }
0x77: {  	[sflag:s23] =	ssyncadd.s32 $0xFFFFC000  }
0x78: {  	_ =	swait.ge [sflag:s20], $0x4000  }
0x79: {  	[sflag:s20] =	ssyncset.done $0x0  }
0x7a: {  	s24 =	sadd.s32 $0x1, s24;
	[sflag:s20] =	ssyncadd.s32 $0xFFFFC000  }
0x7b: {  	[hbm4b:s8+s3] =	stream.linear.scatter [tilespmem:s22], [sflag:$0x2], $0x4000, $0x38;
	[tilespmem:$0x18350] =	vst v63  }
0x7c: {  	p1 =	sne.s32 s24, s9;
	_ =	swait.ge [sflag:s23], $0x4000  }
.Ltmp1:
0x7d: {  	[sflag:s23] =	ssyncset.done $0x0;
	(pc) =	sbr.rel @p1 .LBB2_1-.Ltmp1, $4  }
0x7e: {  	[sflag:s23] =	ssyncadd.s32 $0xFFFFC000  }
0x7f: {  	_ =	swait.ge [sflag:s23], $0x4000  }
0x80: {  	[sflag:s23] =	ssyncset.done $0x0  }
0x81: {  	[sflag:s23] =	ssyncadd.s32 $0xFFFFC000  }
0x82: {  	_ =	sfence.sel $0x180000  }
0x83: {  	[bflag:$0x0] =	sbarrier.arrive $0xFFFF  }
0x84: {  	_ =	strace $0x90000047  }
0x85: {  	s0 =	sadd.s32 @!p0 $0x100000, s1;
	[bflag:$0x2] =	sbarrier.arrive $0xFFFF  }
0x86: {  	[sflag:s0] =	ssyncadd.tile.s32 @!p0 $0x1;
	_ =	shalt  }
.Lfunc_end2:
_tile_overlayer_lowered:
.L_overlay_start_2:
0x87: {  	(tag) =	ssettag $0x2  }
0x88: {  	s0 =	rddreg [dreg:$0x0];
	s2 =	stileid.u32  }
0x89: {  	s1 =	rddreg [dreg:$0x1];
	p0 =	sne.s32 s2, $0x0  }
0x8a: {  	s3 =	rddreg [dreg:$0x2];
	[bflag:$0x3] =	sbarrier.arrive $0xFFFF;
	s2 =	simm.s32 @!p0 $0x1C03  }
0x8b: {  	[timem:s3], [sflag:s2] =	dma.local @!p0 [hbm:s0], s1  }
0x8c: {  	s0 =	simm.s32 @!p0 $0x3  }
0x8d: {  	_ =	swait.ge @!p0 [sflag:s0], s1  }
0x8e: {  	s1 =	ssub.s32 @!p0 $0x0, s1;
	[sflag:s0] =	ssyncset.done @!p0 $0x0  }
0x8f: {  	[sflag:s0] =	ssyncadd.s32 @!p0 s1  }
0x90: {  	[bflag:$0x3] =	sbarrier.arrive $0xFFFF  }
0x91: {  	_ =	shalt  }

</sc_bundles>
